<compile_context>
chip_gen: v7x
topology: tpu7x:2x2x1
jax: 0.10.2.dev20260603
libtpu: 0.0.44.dev20260713+nightly
codegen_flags: <defaults>
</compile_context>

<pallas_src>
import functools

import jax
import jax.numpy as jnp
from jax import lax
from jax.experimental import pallas as pl
from jax.experimental.pallas import tpu as pltpu
from jax.experimental.pallas import tpu_sc as plsc

D = 256
K = 8192
TM = 512
TK = 2048
COMMIT = 0.25


def _argmin_body(x2_ref, xn_ref, en_ref, emb_ref, idx_ref, loss_ref, acc_ref):
    i = pl.program_id(0)
    nsteps = pl.num_programs(0)
    x2 = x2_ref[...]
    xn = xn_ref[...]

    lanes = 128
    lane_iota = lax.broadcasted_iota(jnp.int32, (TM, lanes), 1)
    rmin = jnp.full((TM, lanes), jnp.inf, jnp.float32)
    rarg = jnp.zeros((TM, lanes), jnp.int32)

    for t in range(K // TK):
        emb_t = emb_ref[pl.ds(t * TK, TK), :]
        mm = lax.dot_general(x2, emb_t, (((1,), (1,)), ((), ())),
                             preferred_element_type=jnp.float32)
        for g in range(TK // lanes):
            en_g = en_ref[:, pl.ds(t * TK + g * lanes, lanes)]
            d = (xn + en_g) + mm[:, g * lanes:(g + 1) * lanes]
            better = d < rmin
            rmin = jnp.where(better, d, rmin)
            rarg = jnp.where(better, lane_iota + (t * TK + g * lanes), rarg)

    mn = jnp.min(rmin, axis=1, keepdims=True)
    ag = jnp.min(jnp.where(rmin == mn, rarg, K), axis=1, keepdims=True)
    idx_ref[...] = ag

    @pl.when(i == 0)
    def _():
        acc_ref[0, 0] = 0.0

    acc_ref[0, 0] += jnp.sum(mn)

    @pl.when(i == nsteps - 1)
    def _():
        total = jnp.float32(nsteps * TM * D)
        loss_ref[0, 0] = (1.0 + COMMIT) * acc_ref[0, 0] / total


def _argmin_call(x2, xn, en, emb):
    m = x2.shape[0]
    grid = (m // TM,)
    return pl.pallas_call(
        _argmin_body,
        grid=grid,
        in_specs=[
            pl.BlockSpec((TM, D), lambda i: (i, 0)),
            pl.BlockSpec((TM, 1), lambda i: (i, 0)),
            pl.BlockSpec((1, K), lambda i: (0, 0)),
            pl.BlockSpec((K, D), lambda i: (0, 0)),
        ],
        out_specs=[
            pl.BlockSpec((TM, 1), lambda i: (i, 0)),
            pl.BlockSpec(memory_space=pltpu.SMEM),
        ],
        out_shape=[
            jax.ShapeDtypeStruct((m, 1), jnp.int32),
            jax.ShapeDtypeStruct((1, 1), jnp.float32),
        ],
        scratch_shapes=[pltpu.SMEM((1, 1), jnp.float32)],
    )(x2, xn, en, emb)


def _make_sc_gather(m):
    info = plsc.get_sparse_core_info()
    nw = info.num_cores * info.num_subcores
    nc = info.num_cores
    b_per_w = m // nw
    ch = 128
    nch = b_per_w // ch

    mesh = plsc.VectorSubcoreMesh(core_axis_name="c", subcore_axis_name="s")

    @functools.partial(
        pl.kernel,
        mesh=mesh,
        out_type=jax.ShapeDtypeStruct((m, D), jnp.float32),
        scratch_types=[
            pltpu.VMEM((nch, ch), jnp.int32),
            pltpu.VMEM((b_per_w, D), jnp.float32),
            pltpu.SemaphoreType.DMA,
            pltpu.SemaphoreType.DMA,
        ],
    )
    def gather_k(table_hbm, idx_hbm, out_hbm, idx_v, rows_v, gsem, ssem):
        wid = lax.axis_index("s") * nc + lax.axis_index("c")
        base = wid * b_per_w
        pltpu.sync_copy(idx_hbm.at[pl.ds(wid * nch, nch)], idx_v)
        copies = [
            pltpu.async_copy(table_hbm.at[idx_v.at[j]],
                             rows_v.at[pl.ds(j * ch, ch)], gsem)
            for j in range(nch)
        ]
        stores = []
        for j, cp in enumerate(copies):
            cp.wait()
            stores.append(pltpu.async_copy(
                rows_v.at[pl.ds(j * ch, ch)],
                out_hbm.at[pl.ds(base + j * ch, ch)], ssem))
        for st in stores:
            st.wait()

    return gather_k, nch, ch


def kernel(x, embeddings_weight):
    b, c, h, w = x.shape
    m = b * h * w
    flat_x = jnp.transpose(x, (0, 2, 3, 1)).reshape(m, c)
    xn = jnp.sum(flat_x ** 2, axis=1, keepdims=True)
    en = jnp.sum(embeddings_weight ** 2, axis=1)[None, :]
    x2 = flat_x * -2.0

    idx2d, loss2d = _argmin_call(x2, xn, en, embeddings_weight)

    gather_k, nch, ch = _make_sc_gather(m)
    idx_chunks = idx2d.reshape(m // ch, ch)
    q = gather_k(embeddings_weight, idx_chunks)

    quantized_out = q.reshape(b, h, w, c).transpose(0, 3, 1, 2)
    return quantized_out, loss2d[0, 0]

# --- scband reference (transcript-rebuilt; emitter-appended) ---
"""Pipeline reference for scband-vector-quantizer-78941498900941 (READ-ONLY COPY).

The authoritative reference and input builder live on the scoring server;
editing this copy changes nothing except your own understanding.
"""

import jax, jax.numpy as jnp
import numpy as np

EMBEDDING_DIM = 256
NUM_EMBEDDINGS = 8192
COMMITMENT_COST = 0.25


def setup_inputs(seed: int = 0) -> dict:
    key = jax.random.key(seed)
    k1, k2 = jax.random.split(key)
    x = jax.random.normal(k1, (8, 256, 32, 32), dtype=jnp.float32)
    embeddings_weight = jax.random.normal(k2, (NUM_EMBEDDINGS, EMBEDDING_DIM), dtype=jnp.float32)
    return {"x": x, "embeddings_weight": embeddings_weight}


def reference(x, embeddings_weight):
    # x: [B, C, H, W] -> [B, H, W, C]
    xp = jnp.transpose(x, (0, 2, 3, 1))
    flat_x = xp.reshape(-1, EMBEDDING_DIM)
    # squared L2 distances to codebook
    distances = (jnp.sum(flat_x ** 2, axis=1, keepdims=True)
                 + jnp.sum(embeddings_weight ** 2, axis=1)
                 - 2.0 * jnp.matmul(flat_x, embeddings_weight.T))
    encoding_indices = jnp.argmin(distances, axis=1)
    quantized = jnp.take(embeddings_weight, encoding_indices, axis=0)
    quantized = quantized.reshape(xp.shape)
    # training path
    q_latent_loss = jnp.mean((quantized - jax.lax.stop_gradient(xp)) ** 2)
    e_latent_loss = jnp.mean((xp - jax.lax.stop_gradient(quantized)) ** 2)
    loss = q_latent_loss + COMMITMENT_COST * e_latent_loss
    # straight-through estimator
    quantized_st = xp + jax.lax.stop_gradient(quantized - xp)
    quantized_out = jnp.transpose(quantized_st, (0, 3, 1, 2))
    return (quantized_out, loss)

if __name__ == "__main__":
    import jax
    _d = setup_inputs()
    print(jax.jit(kernel)(*tuple(_d.values())))

</pallas_src>

<mosaic_0001>
#map = affine_map<(d0, d1) -> (0, 0)>
module attributes {stable_mosaic.version = 14 : i64} {
  func.func @gather_k(%arg0: i32, %arg1: i32, %arg2: memref<8192x256xf32, #tpu.memory_space<hbm>>, %arg3: memref<64x128xi32, #tpu.memory_space<hbm>>, %arg4: memref<8192x256xf32, #tpu.memory_space<hbm>>, %arg5: memref<2x128xi32, #tpu.memory_space<vmem>>, %arg6: memref<256x256xf32, #tpu.memory_space<vmem>>, %arg7: memref<!tpu.dma_semaphore, #tpu.memory_space<semaphore_mem>>, %arg8: memref<!tpu.dma_semaphore, #tpu.memory_space<semaphore_mem>>) attributes {dimension_semantics = [#tpu.dimension_semantics<core_parallel>, #tpu.dimension_semantics<subcore_parallel>], iteration_bounds = array<i64: 2, 16>, scalar_prefetch = 0 : i64, scratch_operands = 4 : i64, tpu.core_type = #tpu.core_type<sc_vector_subcore>, window_params = [{transform_indices = #map}, {transform_indices = #map}, {transform_indices = #map}]} {
    %mul3A = arith.constant 2 : i32
    %mul3A_0 = arith.muli %arg1, %mul3A : i32
    %add3A = arith.addi %mul3A_0, %arg0 : i32
    %mul3A_1 = arith.constant 256 : i32
    %mul3A_2 = arith.muli %add3A, %mul3A_1 : i32
    %mul3A_3 = arith.constant 2 : i32
    %mul3A_4 = arith.muli %add3A, %mul3A_3 : i32
    "tpu.region"() ({
      %run_scoped3A = tpu.sem_alloc : memref<!tpu.dma_semaphore, #tpu.memory_space<semaphore_mem>>
      %dma_start3A_87 = arith.constant 0 : i32
      %dma_start3A_88 = tpu.memref_slice %arg3[%mul3A_4, %dma_start3A_87] : memref<64x128xi32, #tpu.memory_space<hbm>> -> memref<2x128xi32, #tpu.memory_space<hbm>>
      %dma_start3A_89 = arith.constant 0 : i32
      %dma_start3A_90 = tpu.memref_slice %arg3[%mul3A_4, %dma_start3A_89] : memref<64x128xi32, #tpu.memory_space<hbm>> -> memref<2x128xi32, #tpu.memory_space<hbm>>
      tpu.enqueue_dma source(%dma_start3A_90 : memref<2x128xi32, #tpu.memory_space<hbm>>) target(%arg5 : memref<2x128xi32, #tpu.memory_space<vmem>>) target_semaphore(%run_scoped3A : memref<!tpu.dma_semaphore, #tpu.memory_space<semaphore_mem>>)
      %dma_wait3A_91 = arith.constant 0 : i32
      %dma_wait3A_92 = tpu.memref_slice %arg3[%mul3A_4, %dma_wait3A_91] : memref<64x128xi32, #tpu.memory_space<hbm>> -> memref<2x128xi32, #tpu.memory_space<hbm>>
      %dma_wait3A_93 = arith.constant 0 : i32
      %dma_wait3A_94 = tpu.memref_slice %arg3[%mul3A_4, %dma_wait3A_93] : memref<64x128xi32, #tpu.memory_space<hbm>> -> memref<2x128xi32, #tpu.memory_space<hbm>>
      tpu.wait_dma2 semaphore(%run_scoped3A : memref<!tpu.dma_semaphore, #tpu.memory_space<semaphore_mem>>) src(%dma_wait3A_94 : memref<2x128xi32, #tpu.memory_space<hbm>>) dst(%arg5 : memref<2x128xi32, #tpu.memory_space<vmem>>)
      tpu.yield
    }) : () -> ()
    %dma_start3A = arith.constant 0 : i32
    %dma_start3A_5 = arith.constant 0 : i32
    %dma_start3A_6 = arith.constant 0 : i32
    %dma_start3A_7 = tpu.memref_slice %arg6[%dma_start3A_5, %dma_start3A_6] : memref<256x256xf32, #tpu.memory_space<vmem>> -> memref<128x256xf32, #tpu.memory_space<vmem>>
    %dma_start3A_8 = arith.constant 0 : i32
    %dma_start3A_9 = tpu.memref_slice %arg5[%dma_start3A, %dma_start3A_8] : memref<2x128xi32, #tpu.memory_space<vmem>> -> memref<1x128xi32, #tpu.memory_space<vmem>>
    %dma_start3A_10 = tpu.memref_squeeze %dma_start3A_9 : memref<1x128xi32, #tpu.memory_space<vmem>> -> memref<128xi32, #tpu.memory_space<vmem>>
    %dma_start3A_11 = arith.constant 0 : i32
    %dma_start3A_12 = arith.constant 0 : i32
    %dma_start3A_13 = tpu.memref_slice %arg2[%dma_start3A_11, %dma_start3A_12] : memref<8192x256xf32, #tpu.memory_space<hbm>> -> memref<8192x256xf32, #tpu.memory_space<hbm>>
    tpu.enqueue_indirect_dma source(%dma_start3A_13 : memref<8192x256xf32, #tpu.memory_space<hbm>>) target(%dma_start3A_7 : memref<128x256xf32, #tpu.memory_space<vmem>>) offsets(%dma_start3A_10 : memref<128xi32, #tpu.memory_space<vmem>>) semaphore(%arg7 : memref<!tpu.dma_semaphore, #tpu.memory_space<semaphore_mem>>)
    %dma_start3A_14 = arith.constant 1 : i32
    %dma_start3A_15 = arith.constant 128 : i32
    %dma_start3A_16 = arith.constant 0 : i32
    %dma_start3A_17 = tpu.memref_slice %arg6[%dma_start3A_15, %dma_start3A_16] : memref<256x256xf32, #tpu.memory_space<vmem>> -> memref<128x256xf32, #tpu.memory_space<vmem>>
    %dma_start3A_18 = arith.constant 0 : i32
    %dma_start3A_19 = tpu.memref_slice %arg5[%dma_start3A_14, %dma_start3A_18] : memref<2x128xi32, #tpu.memory_space<vmem>> -> memref<1x128xi32, #tpu.memory_space<vmem>>
    %dma_start3A_20 = tpu.memref_squeeze %dma_start3A_19 : memref<1x128xi32, #tpu.memory_space<vmem>> -> memref<128xi32, #tpu.memory_space<vmem>>
    %dma_start3A_21 = arith.constant 0 : i32
    %dma_start3A_22 = arith.constant 0 : i32
    %dma_start3A_23 = tpu.memref_slice %arg2[%dma_start3A_21, %dma_start3A_22] : memref<8192x256xf32, #tpu.memory_space<hbm>> -> memref<8192x256xf32, #tpu.memory_space<hbm>>
    tpu.enqueue_indirect_dma source(%dma_start3A_23 : memref<8192x256xf32, #tpu.memory_space<hbm>>) target(%dma_start3A_17 : memref<128x256xf32, #tpu.memory_space<vmem>>) offsets(%dma_start3A_20 : memref<128xi32, #tpu.memory_space<vmem>>) semaphore(%arg7 : memref<!tpu.dma_semaphore, #tpu.memory_space<semaphore_mem>>)
    %dma_wait3A = arith.constant 0 : i32
    %dma_wait3A_24 = arith.constant 0 : i32
    %dma_wait3A_25 = arith.constant 0 : i32
    %dma_wait3A_26 = tpu.memref_slice %arg6[%dma_wait3A_24, %dma_wait3A_25] : memref<256x256xf32, #tpu.memory_space<vmem>> -> memref<128x256xf32, #tpu.memory_space<vmem>>
    %dma_wait3A_27 = arith.constant 0 : i32
    %dma_wait3A_28 = tpu.memref_slice %arg5[%dma_wait3A, %dma_wait3A_27] : memref<2x128xi32, #tpu.memory_space<vmem>> -> memref<1x128xi32, #tpu.memory_space<vmem>>
    %dma_wait3A_29 = tpu.memref_squeeze %dma_wait3A_28 : memref<1x128xi32, #tpu.memory_space<vmem>> -> memref<128xi32, #tpu.memory_space<vmem>>
    %dma_wait3A_30 = arith.constant 0 : i32
    %dma_wait3A_31 = arith.constant 0 : i32
    %dma_wait3A_32 = tpu.memref_slice %arg2[%dma_wait3A_30, %dma_wait3A_31] : memref<8192x256xf32, #tpu.memory_space<hbm>> -> memref<8192x256xf32, #tpu.memory_space<hbm>>
    tpu.wait_indirect_dma semaphore(%arg7 : memref<!tpu.dma_semaphore, #tpu.memory_space<semaphore_mem>>) src(%dma_wait3A_32 : memref<8192x256xf32, #tpu.memory_space<hbm>>) dst(%dma_wait3A_26 : memref<128x256xf32, #tpu.memory_space<vmem>>)
    %add3A_33 = arith.constant 0 : i32
    %add3A_34 = arith.addi %mul3A_2, %add3A_33 : i32
    %dma_start3A_35 = arith.constant 0 : i32
    %dma_start3A_36 = arith.constant 0 : i32
    %dma_start3A_37 = tpu.memref_slice %arg6[%dma_start3A_35, %dma_start3A_36] : memref<256x256xf32, #tpu.memory_space<vmem>> -> memref<128x256xf32, #tpu.memory_space<vmem>>
    %dma_start3A_38 = arith.constant 0 : i32
    %dma_start3A_39 = tpu.memref_slice %arg4[%add3A_34, %dma_start3A_38] : memref<8192x256xf32, #tpu.memory_space<hbm>> -> memref<128x256xf32, #tpu.memory_space<hbm>>
    %dma_start3A_40 = arith.constant 0 : i32
    %dma_start3A_41 = tpu.memref_slice %arg4[%add3A_34, %dma_start3A_40] : memref<8192x256xf32, #tpu.memory_space<hbm>> -> memref<128x256xf32, #tpu.memory_space<hbm>>
    %dma_start3A_42 = arith.constant 0 : i32
    %dma_start3A_43 = arith.constant 0 : i32
    %dma_start3A_44 = tpu.memref_slice %arg6[%dma_start3A_42, %dma_start3A_43] : memref<256x256xf32, #tpu.memory_space<vmem>> -> memref<128x256xf32, #tpu.memory_space<vmem>>
    tpu.enqueue_dma source(%dma_start3A_44 : memref<128x256xf32, #tpu.memory_space<vmem>>) target(%dma_start3A_41 : memref<128x256xf32, #tpu.memory_space<hbm>>) target_semaphore(%arg8 : memref<!tpu.dma_semaphore, #tpu.memory_space<semaphore_mem>>)
    %dma_wait3A_45 = arith.constant 1 : i32
    %dma_wait3A_46 = arith.constant 128 : i32
    %dma_wait3A_47 = arith.constant 0 : i32
    %dma_wait3A_48 = tpu.memref_slice %arg6[%dma_wait3A_46, %dma_wait3A_47] : memref<256x256xf32, #tpu.memory_space<vmem>> -> memref<128x256xf32, #tpu.memory_space<vmem>>
    %dma_wait3A_49 = arith.constant 0 : i32
    %dma_wait3A_50 = tpu.memref_slice %arg5[%dma_wait3A_45, %dma_wait3A_49] : memref<2x128xi32, #tpu.memory_space<vmem>> -> memref<1x128xi32, #tpu.memory_space<vmem>>
    %dma_wait3A_51 = tpu.memref_squeeze %dma_wait3A_50 : memref<1x128xi32, #tpu.memory_space<vmem>> -> memref<128xi32, #tpu.memory_space<vmem>>
    %dma_wait3A_52 = arith.constant 0 : i32
    %dma_wait3A_53 = arith.constant 0 : i32
    %dma_wait3A_54 = tpu.memref_slice %arg2[%dma_wait3A_52, %dma_wait3A_53] : memref<8192x256xf32, #tpu.memory_space<hbm>> -> memref<8192x256xf32, #tpu.memory_space<hbm>>
    tpu.wait_indirect_dma semaphore(%arg7 : memref<!tpu.dma_semaphore, #tpu.memory_space<semaphore_mem>>) src(%dma_wait3A_54 : memref<8192x256xf32, #tpu.memory_space<hbm>>) dst(%dma_wait3A_48 : memref<128x256xf32, #tpu.memory_space<vmem>>)
    %add3A_55 = arith.constant 128 : i32
    %add3A_56 = arith.addi %mul3A_2, %add3A_55 : i32
    %dma_start3A_57 = arith.constant 128 : i32
    %dma_start3A_58 = arith.constant 0 : i32
    %dma_start3A_59 = tpu.memref_slice %arg6[%dma_start3A_57, %dma_start3A_58] : memref<256x256xf32, #tpu.memory_space<vmem>> -> memref<128x256xf32, #tpu.memory_space<vmem>>
    %dma_start3A_60 = arith.constant 0 : i32
    %dma_start3A_61 = tpu.memref_slice %arg4[%add3A_56, %dma_start3A_60] : memref<8192x256xf32, #tpu.memory_space<hbm>> -> memref<128x256xf32, #tpu.memory_space<hbm>>
    %dma_start3A_62 = arith.constant 0 : i32
    %dma_start3A_63 = tpu.memref_slice %arg4[%add3A_56, %dma_start3A_62] : memref<8192x256xf32, #tpu.memory_space<hbm>> -> memref<128x256xf32, #tpu.memory_space<hbm>>
    %dma_start3A_64 = arith.constant 128 : i32
    %dma_start3A_65 = arith.constant 0 : i32
    %dma_start3A_66 = tpu.memref_slice %arg6[%dma_start3A_64, %dma_start3A_65] : memref<256x256xf32, #tpu.memory_space<vmem>> -> memref<128x256xf32, #tpu.memory_space<vmem>>
    tpu.enqueue_dma source(%dma_start3A_66 : memref<128x256xf32, #tpu.memory_space<vmem>>) target(%dma_start3A_63 : memref<128x256xf32, #tpu.memory_space<hbm>>) target_semaphore(%arg8 : memref<!tpu.dma_semaphore, #tpu.memory_space<semaphore_mem>>)
    %dma_wait3A_67 = arith.constant 0 : i32
    %dma_wait3A_68 = arith.constant 0 : i32
    %dma_wait3A_69 = tpu.memref_slice %arg6[%dma_wait3A_67, %dma_wait3A_68] : memref<256x256xf32, #tpu.memory_space<vmem>> -> memref<128x256xf32, #tpu.memory_space<vmem>>
    %dma_wait3A_70 = arith.constant 0 : i32
    %dma_wait3A_71 = tpu.memref_slice %arg4[%add3A_34, %dma_wait3A_70] : memref<8192x256xf32, #tpu.memory_space<hbm>> -> memref<128x256xf32, #tpu.memory_space<hbm>>
    %dma_wait3A_72 = arith.constant 0 : i32
    %dma_wait3A_73 = tpu.memref_slice %arg4[%add3A_34, %dma_wait3A_72] : memref<8192x256xf32, #tpu.memory_space<hbm>> -> memref<128x256xf32, #tpu.memory_space<hbm>>
    %dma_wait3A_74 = arith.constant 0 : i32
    %dma_wait3A_75 = arith.constant 0 : i32
    %dma_wait3A_76 = tpu.memref_slice %arg6[%dma_wait3A_74, %dma_wait3A_75] : memref<256x256xf32, #tpu.memory_space<vmem>> -> memref<128x256xf32, #tpu.memory_space<vmem>>
    tpu.wait_dma2 semaphore(%arg8 : memref<!tpu.dma_semaphore, #tpu.memory_space<semaphore_mem>>) src(%dma_wait3A_76 : memref<128x256xf32, #tpu.memory_space<vmem>>) dst(%dma_wait3A_73 : memref<128x256xf32, #tpu.memory_space<hbm>>)
    %dma_wait3A_77 = arith.constant 128 : i32
    %dma_wait3A_78 = arith.constant 0 : i32
    %dma_wait3A_79 = tpu.memref_slice %arg6[%dma_wait3A_77, %dma_wait3A_78] : memref<256x256xf32, #tpu.memory_space<vmem>> -> memref<128x256xf32, #tpu.memory_space<vmem>>
    %dma_wait3A_80 = arith.constant 0 : i32
    %dma_wait3A_81 = tpu.memref_slice %arg4[%add3A_56, %dma_wait3A_80] : memref<8192x256xf32, #tpu.memory_space<hbm>> -> memref<128x256xf32, #tpu.memory_space<hbm>>
    %dma_wait3A_82 = arith.constant 0 : i32
    %dma_wait3A_83 = tpu.memref_slice %arg4[%add3A_56, %dma_wait3A_82] : memref<8192x256xf32, #tpu.memory_space<hbm>> -> memref<128x256xf32, #tpu.memory_space<hbm>>
    %dma_wait3A_84 = arith.constant 128 : i32
    %dma_wait3A_85 = arith.constant 0 : i32
    %dma_wait3A_86 = tpu.memref_slice %arg6[%dma_wait3A_84, %dma_wait3A_85] : memref<256x256xf32, #tpu.memory_space<vmem>> -> memref<128x256xf32, #tpu.memory_space<vmem>>
    tpu.wait_dma2 semaphore(%arg8 : memref<!tpu.dma_semaphore, #tpu.memory_space<semaphore_mem>>) src(%dma_wait3A_86 : memref<128x256xf32, #tpu.memory_space<vmem>>) dst(%dma_wait3A_83 : memref<128x256xf32, #tpu.memory_space<hbm>>)
    return
  }
}

module attributes {stable_mosaic.version = 14 : i64} {
  func.func @_argmin_body(%arg0: i32, %arg1: memref<512x256xf32, #tpu.memory_space<vmem>>, %arg2: memref<512x1xf32, #tpu.memory_space<vmem>>, %arg3: memref<1x8192xf32, #tpu.memory_space<vmem>>, %arg4: memref<8192x256xf32, #tpu.memory_space<vmem>>, %arg5: memref<512x1xi32, #tpu.memory_space<vmem>>, %arg6: memref<1x1xf32, #tpu.memory_space<smem>>, %arg7: memref<1x1xf32, #tpu.memory_space<smem>>) attributes {dimension_semantics = [#tpu.dimension_semantics<arbitrary>], iteration_bounds = array<i64: 16>, scalar_prefetch = 0 : i64, scratch_operands = 1 : i64, tpu.core_type = #tpu.core_type<tc>, window_params = [{transform_indices = @transform_0, window_bounds = array<i64: 512, 256>}, {transform_indices = @transform_1, window_bounds = array<i64: 512, 1>}, {pipeline_mode = #tpu.pipeline_mode<synchronous>, transform_indices = @transform_2, window_bounds = array<i64: 1, 8192>}, {pipeline_mode = #tpu.pipeline_mode<synchronous>, transform_indices = @transform_3, window_bounds = array<i64: 8192, 256>}, {transform_indices = @transform_4, window_bounds = array<i64: 512, 1>}, {transform_indices = @transform_5, window_bounds = array<i64: 1, 1>}]} {
    %get3A = arith.constant 0 : index
    %get3A_0 = arith.constant 0 : index
    %get3A_1 = vector.load %arg1[%get3A, %get3A_0] : memref<512x256xf32, #tpu.memory_space<vmem>>, vector<512x256xf32>
    %get3A_2 = arith.constant 0 : index
    %get3A_3 = arith.constant 0 : index
    %get3A_4 = vector.load %arg2[%get3A_2, %get3A_3] : memref<512x1xf32, #tpu.memory_space<vmem>>, vector<512x1xf32>
    %iota3A = tpu.iota {dimensions = array<i32: 1>} : vector<512x128xi32>
    %broadcast_in_dim3A = arith.constant 0x7F800000 : f32
    %broadcast_in_dim3A_5 = vector.broadcast %broadcast_in_dim3A : f32 to vector<512x128xf32>
    %broadcast_in_dim3A_6 = arith.constant 0 : i32
    %broadcast_in_dim3A_7 = vector.broadcast %broadcast_in_dim3A_6 : i32 to vector<512x128xi32>
    %get3A_8 = arith.constant 0 : index
    %get3A_9 = arith.constant 0 : index
    %get3A_10 = vector.load %arg4[%get3A_8, %get3A_9] : memref<8192x256xf32, #tpu.memory_space<vmem>>, vector<2048x256xf32>
    %dot_general3A = arith.constant dense<0.000000e+00> : vector<512x2048xf32>
    %dot_general3A_11 = tpu.matmul %get3A_1, %get3A_10, %dot_general3A {dimension_numbers = #tpu.dot_dimension_numbers<[1], [1], [0], [0], [0, 0, 1, 0], [], []>, transpose_lhs_hint = false} : vector<512x256xf32>, vector<2048x256xf32>, vector<512x2048xf32> -> vector<512x2048xf32>
    %get3A_12 = arith.constant 0 : index
    %get3A_13 = arith.constant 0 : index
    %get3A_14 = vector.load %arg3[%get3A_12, %get3A_13] : memref<1x8192xf32, #tpu.memory_space<vmem>>, vector<1x128xf32>
    %add3A = vector.broadcast %get3A_4 : vector<512x1xf32> to vector<512x128xf32>
    %add3A_15 = vector.broadcast %get3A_14 : vector<1x128xf32> to vector<512x128xf32>
    %add3A_16 = arith.addf %add3A, %add3A_15 : vector<512x128xf32>
    %slice3A = vector.extract_strided_slice %dot_general3A_11 {offsets = [0, 0], sizes = [512, 128], strides = [1, 1]} : vector<512x2048xf32> to vector<512x128xf32>
    %add3A_17 = arith.addf %add3A_16, %slice3A : vector<512x128xf32>
    %lt3A = arith.cmpf olt, %add3A_17, %broadcast_in_dim3A_5 : vector<512x128xf32>
    %select_n3A = arith.select %lt3A, %add3A_17, %broadcast_in_dim3A_5 : vector<512x128xi1>, vector<512x128xf32>
    %add3A_18 = arith.constant 0 : i32
    %add3A_19 = vector.broadcast %add3A_18 : i32 to vector<512x128xi32>
    %add3A_20 = arith.addi %iota3A, %add3A_19 : vector<512x128xi32>
    %select_n3A_21 = arith.select %lt3A, %add3A_20, %broadcast_in_dim3A_7 : vector<512x128xi1>, vector<512x128xi32>
    %get3A_22 = arith.constant 0 : index
    %get3A_23 = arith.constant 128 : index
    %get3A_24 = vector.load %arg3[%get3A_22, %get3A_23] : memref<1x8192xf32, #tpu.memory_space<vmem>>, vector<1x128xf32>
    %add3A_25 = vector.broadcast %get3A_4 : vector<512x1xf32> to vector<512x128xf32>
    %add3A_26 = vector.broadcast %get3A_24 : vector<1x128xf32> to vector<512x128xf32>
    %add3A_27 = arith.addf %add3A_25, %add3A_26 : vector<512x128xf32>
    %slice3A_28 = vector.extract_strided_slice %dot_general3A_11 {offsets = [0, 128], sizes = [512, 128], strides = [1, 1]} : vector<512x2048xf32> to vector<512x128xf32>
    %add3A_29 = arith.addf %add3A_27, %slice3A_28 : vector<512x128xf32>
    %lt3A_30 = arith.cmpf olt, %add3A_29, %select_n3A : vector<512x128xf32>
    %select_n3A_31 = arith.select %lt3A_30, %add3A_29, %select_n3A : vector<512x128xi1>, vector<512x128xf32>
    %add3A_32 = arith.constant 128 : i32
    %add3A_33 = vector.broadcast %add3A_32 : i32 to vector<512x128xi32>
    %add3A_34 = arith.addi %iota3A, %add3A_33 : vector<512x128xi32>
    %select_n3A_35 = arith.select %lt3A_30, %add3A_34, %select_n3A_21 : vector<512x128xi1>, vector<512x128xi32>
    %get3A_36 = arith.constant 0 : index
    %get3A_37 = arith.constant 256 : index
    %get3A_38 = vector.load %arg3[%get3A_36, %get3A_37] : memref<1x8192xf32, #tpu.memory_space<vmem>>, vector<1x128xf32>
    %add3A_39 = vector.broadcast %get3A_4 : vector<512x1xf32> to vector<512x128xf32>
    %add3A_40 = vector.broadcast %get3A_38 : vector<1x128xf32> to vector<512x128xf32>
    %add3A_41 = arith.addf %add3A_39, %add3A_40 : vector<512x128xf32>
    %slice3A_42 = vector.extract_strided_slice %dot_general3A_11 {offsets = [0, 256], sizes = [512, 128], strides = [1, 1]} : vector<512x2048xf32> to vector<512x128xf32>
    %add3A_43 = arith.addf %add3A_41, %slice3A_42 : vector<512x128xf32>
    %lt3A_44 = arith.cmpf olt, %add3A_43, %select_n3A_31 : vector<512x128xf32>
    %select_n3A_45 = arith.select %lt3A_44, %add3A_43, %select_n3A_31 : vector<512x128xi1>, vector<512x128xf32>
    %add3A_46 = arith.constant 256 : i32
    %add3A_47 = vector.broadcast %add3A_46 : i32 to vector<512x128xi32>
    %add3A_48 = arith.addi %iota3A, %add3A_47 : vector<512x128xi32>
    %select_n3A_49 = arith.select %lt3A_44, %add3A_48, %select_n3A_35 : vector<512x128xi1>, vector<512x128xi32>
    %get3A_50 = arith.constant 0 : index
    %get3A_51 = arith.constant 384 : index
    %get3A_52 = vector.load %arg3[%get3A_50, %get3A_51] : memref<1x8192xf32, #tpu.memory_space<vmem>>, vector<1x128xf32>
    %add3A_53 = vector.broadcast %get3A_4 : vector<512x1xf32> to vector<512x128xf32>
    %add3A_54 = vector.broadcast %get3A_52 : vector<1x128xf32> to vector<512x128xf32>
    %add3A_55 = arith.addf %add3A_53, %add3A_54 : vector<512x128xf32>
    %slice3A_56 = vector.extract_strided_slice %dot_general3A_11 {offsets = [0, 384], sizes = [512, 128], strides = [1, 1]} : vector<512x2048xf32> to vector<512x128xf32>
    %add3A_57 = arith.addf %add3A_55, %slice3A_56 : vector<512x128xf32>
    %lt3A_58 = arith.cmpf olt, %add3A_57, %select_n3A_45 : vector<512x128xf32>
    %select_n3A_59 = arith.select %lt3A_58, %add3A_57, %select_n3A_45 : vector<512x128xi1>, vector<512x128xf32>
    %add3A_60 = arith.constant 384 : i32
    %add3A_61 = vector.broadcast %add3A_60 : i32 to vector<512x128xi32>
    %add3A_62 = arith.addi %iota3A, %add3A_61 : vector<512x128xi32>
    %select_n3A_63 = arith.select %lt3A_58, %add3A_62, %select_n3A_49 : vector<512x128xi1>, vector<512x128xi32>
    %get3A_64 = arith.constant 0 : index
    %get3A_65 = arith.constant 512 : index
    %get3A_66 = vector.load %arg3[%get3A_64, %get3A_65] : memref<1x8192xf32, #tpu.memory_space<vmem>>, vector<1x128xf32>
    %add3A_67 = vector.broadcast %get3A_4 : vector<512x1xf32> to vector<512x128xf32>
    %add3A_68 = vector.broadcast %get3A_66 : vector<1x128xf32> to vector<512x128xf32>
    %add3A_69 = arith.addf %add3A_67, %add3A_68 : vector<512x128xf32>
    %slice3A_70 = vector.extract_strided_slice %dot_general3A_11 {offsets = [0, 512], sizes = [512, 128], strides = [1, 1]} : vector<512x2048xf32> to vector<512x128xf32>
    %add3A_71 = arith.addf %add3A_69, %slice3A_70 : vector<512x128xf32>
    %lt3A_72 = arith.cmpf olt, %add3A_71, %select_n3A_59 : vector<512x128xf32>
    %select_n3A_73 = arith.select %lt3A_72, %add3A_71, %select_n3A_59 : vector<512x128xi1>, vector<512x128xf32>
    %add3A_74 = arith.constant 512 : i32
    %add3A_75 = vector.broadcast %add3A_74 : i32 to vector<512x128xi32>
    %add3A_76 = arith.addi %iota3A, %add3A_75 : vector<512x128xi32>
    %select_n3A_77 = arith.select %lt3A_72, %add3A_76, %select_n3A_63 : vector<512x128xi1>, vector<512x128xi32>
    %get3A_78 = arith.constant 0 : index
    %get3A_79 = arith.constant 640 : index
    %get3A_80 = vector.load %arg3[%get3A_78, %get3A_79] : memref<1x8192xf32, #tpu.memory_space<vmem>>, vector<1x128xf32>
    %add3A_81 = vector.broadcast %get3A_4 : vector<512x1xf32> to vector<512x128xf32>
    %add3A_82 = vector.broadcast %get3A_80 : vector<1x128xf32> to vector<512x128xf32>
    %add3A_83 = arith.addf %add3A_81, %add3A_82 : vector<512x128xf32>
    %slice3A_84 = vector.extract_strided_slice %dot_general3A_11 {offsets = [0, 640], sizes = [512, 128], strides = [1, 1]} : vector<512x2048xf32> to vector<512x128xf32>
    %add3A_85 = arith.addf %add3A_83, %slice3A_84 : vector<512x128xf32>
    %lt3A_86 = arith.cmpf olt, %add3A_85, %select_n3A_73 : vector<512x128xf32>
    %select_n3A_87 = arith.select %lt3A_86, %add3A_85, %select_n3A_73 : vector<512x128xi1>, vector<512x128xf32>
    %add3A_88 = arith.constant 640 : i32
    %add3A_89 = vector.broadcast %add3A_88 : i32 to vector<512x128xi32>
    %add3A_90 = arith.addi %iota3A, %add3A_89 : vector<512x128xi32>
    %select_n3A_91 = arith.select %lt3A_86, %add3A_90, %select_n3A_77 : vector<512x128xi1>, vector<512x128xi32>
    %get3A_92 = arith.constant 0 : index
    %get3A_93 = arith.constant 768 : index
    %get3A_94 = vector.load %arg3[%get3A_92, %get3A_93] : memref<1x8192xf32, #tpu.memory_space<vmem>>, vector<1x128xf32>
    %add3A_95 = vector.broadcast %get3A_4 : vector<512x1xf32> to vector<512x128xf32>
    %add3A_96 = vector.broadcast %get3A_94 : vector<1x128xf32> to vector<512x128xf32>
    %add3A_97 = arith.addf %add3A_95, %add3A_96 : vector<512x128xf32>
    %slice3A_98 = vector.extract_strided_slice %dot_general3A_11 {offsets = [0, 768], sizes = [512, 128], strides = [1, 1]} : vector<512x2048xf32> to vector<512x128xf32>
    %add3A_99 = arith.addf %add3A_97, %slice3A_98 : vector<512x128xf32>
    %lt3A_100 = arith.cmpf olt, %add3A_99, %select_n3A_87 : vector<512x128xf32>
    %select_n3A_101 = arith.select %lt3A_100, %add3A_99, %select_n3A_87 : vector<512x128xi1>, vector<512x128xf32>
    %add3A_102 = arith.constant 768 : i32
    %add3A_103 = vector.broadcast %add3A_102 : i32 to vector<512x128xi32>
    %add3A_104 = arith.addi %iota3A, %add3A_103 : vector<512x128xi32>
    %select_n3A_105 = arith.select %lt3A_100, %add3A_104, %select_n3A_91 : vector<512x128xi1>, vector<512x128xi32>
    %get3A_106 = arith.constant 0 : index
    %get3A_107 = arith.constant 896 : index
    %get3A_108 = vector.load %arg3[%get3A_106, %get3A_107] : memref<1x8192xf32, #tpu.memory_space<vmem>>, vector<1x128xf32>
    %add3A_109 = vector.broadcast %get3A_4 : vector<512x1xf32> to vector<512x128xf32>
    %add3A_110 = vector.broadcast %get3A_108 : vector<1x128xf32> to vector<512x128xf32>
    %add3A_111 = arith.addf %add3A_109, %add3A_110 : vector<512x128xf32>
    %slice3A_112 = vector.extract_strided_slice %dot_general3A_11 {offsets = [0, 896], sizes = [512, 128], strides = [1, 1]} : vector<512x2048xf32> to vector<512x128xf32>
    %add3A_113 = arith.addf %add3A_111, %slice3A_112 : vector<512x128xf32>
    %lt3A_114 = arith.cmpf olt, %add3A_113, %select_n3A_101 : vector<512x128xf32>
    %select_n3A_115 = arith.select %lt3A_114, %add3A_113, %select_n3A_101 : vector<512x128xi1>, vector<512x128xf32>
    %add3A_116 = arith.constant 896 : i32
    %add3A_117 = vector.broadcast %add3A_116 : i32 to vector<512x128xi32>
    %add3A_118 = arith.addi %iota3A, %add3A_117 : vector<512x128xi32>
    %select_n3A_119 = arith.select %lt3A_114, %add3A_118, %select_n3A_105 : vector<512x128xi1>, vector<512x128xi32>
    %get3A_120 = arith.constant 0 : index
    %get3A_121 = arith.constant 1024 : index
    %get3A_122 = vector.load %arg3[%get3A_120, %get3A_121] : memref<1x8192xf32, #tpu.memory_space<vmem>>, vector<1x128xf32>
    %add3A_123 = vector.broadcast %get3A_4 : vector<512x1xf32> to vector<512x128xf32>
    %add3A_124 = vector.broadcast %get3A_122 : vector<1x128xf32> to vector<512x128xf32>
    %add3A_125 = arith.addf %add3A_123, %add3A_124 : vector<512x128xf32>
    %slice3A_126 = vector.extract_strided_slice %dot_general3A_11 {offsets = [0, 1024], sizes = [512, 128], strides = [1, 1]} : vector<512x2048xf32> to vector<512x128xf32>
    %add3A_127 = arith.addf %add3A_125, %slice3A_126 : vector<512x128xf32>
    %lt3A_128 = arith.cmpf olt, %add3A_127, %select_n3A_115 : vector<512x128xf32>
    %select_n3A_129 = arith.select %lt3A_128, %add3A_127, %select_n3A_115 : vector<512x128xi1>, vector<512x128xf32>
    %add3A_130 = arith.constant 1024 : i32
    %add3A_131 = vector.broadcast %add3A_130 : i32 to vector<512x128xi32>
    %add3A_132 = arith.addi %iota3A, %add3A_131 : vector<512x128xi32>
    %select_n3A_133 = arith.select %lt3A_128, %add3A_132, %select_n3A_119 : vector<512x128xi1>, vector<512x128xi32>
    %get3A_134 = arith.constant 0 : index
    %get3A_135 = arith.constant 1152 : index
    %get3A_136 = vector.load %arg3[%get3A_134, %get3A_135] : memref<1x8192xf32, #tpu.memory_space<vmem>>, vector<1x128xf32>
    %add3A_137 = vector.broadcast %get3A_4 : vector<512x1xf32> to vector<512x128xf32>
    %add3A_138 = vector.broadcast %get3A_136 : vector<1x128xf32> to vector<512x128xf32>
    %add3A_139 = arith.addf %add3A_137, %add3A_138 : vector<512x128xf32>
    %slice3A_140 = vector.extract_strided_slice %dot_general3A_11 {offsets = [0, 1152], sizes = [512, 128], strides = [1, 1]} : vector<512x2048xf32> to vector<512x128xf32>
    %add3A_141 = arith.addf %add3A_139, %slice3A_140 : vector<512x128xf32>
    %lt3A_142 = arith.cmpf olt, %add3A_141, %select_n3A_129 : vector<512x128xf32>
    %select_n3A_143 = arith.select %lt3A_142, %add3A_141, %select_n3A_129 : vector<512x128xi1>, vector<512x128xf32>
    %add3A_144 = arith.constant 1152 : i32
    %add3A_145 = vector.broadcast %add3A_144 : i32 to vector<512x128xi32>
    %add3A_146 = arith.addi %iota3A, %add3A_145 : vector<512x128xi32>
    %select_n3A_147 = arith.select %lt3A_142, %add3A_146, %select_n3A_133 : vector<512x128xi1>, vector<512x128xi32>
    %get3A_148 = arith.constant 0 : index
    %get3A_149 = arith.constant 1280 : index
    %get3A_150 = vector.load %arg3[%get3A_148, %get3A_149] : memref<1x8192xf32, #tpu.memory_space<vmem>>, vector<1x128xf32>
    %add3A_151 = vector.broadcast %get3A_4 : vector<512x1xf32> to vector<512x128xf32>
    %add3A_152 = vector.broadcast %get3A_150 : vector<1x128xf32> to vector<512x128xf32>
    %add3A_153 = arith.addf %add3A_151, %add3A_152 : vector<512x128xf32>
    %slice3A_154 = vector.extract_strided_slice %dot_general3A_11 {offsets = [0, 1280], sizes = [512, 128], strides = [1, 1]} : vector<512x2048xf32> to vector<512x128xf32>
    %add3A_155 = arith.addf %add3A_153, %slice3A_154 : vector<512x128xf32>
    %lt3A_156 = arith.cmpf olt, %add3A_155, %select_n3A_143 : vector<512x128xf32>
    %select_n3A_157 = arith.select %lt3A_156, %add3A_155, %select_n3A_143 : vector<512x128xi1>, vector<512x128xf32>
    %add3A_158 = arith.constant 1280 : i32
    %add3A_159 = vector.broadcast %add3A_158 : i32 to vector<512x128xi32>
    %add3A_160 = arith.addi %iota3A, %add3A_159 : vector<512x128xi32>
    %select_n3A_161 = arith.select %lt3A_156, %add3A_160, %select_n3A_147 : vector<512x128xi1>, vector<512x128xi32>
    %get3A_162 = arith.constant 0 : index
    %get3A_163 = arith.constant 1408 : index
    %get3A_164 = vector.load %arg3[%get3A_162, %get3A_163] : memref<1x8192xf32, #tpu.memory_space<vmem>>, vector<1x128xf32>
    %add3A_165 = vector.broadcast %get3A_4 : vector<512x1xf32> to vector<512x128xf32>
    %add3A_166 = vector.broadcast %get3A_164 : vector<1x128xf32> to vector<512x128xf32>
    %add3A_167 = arith.addf %add3A_165, %add3A_166 : vector<512x128xf32>
    %slice3A_168 = vector.extract_strided_slice %dot_general3A_11 {offsets = [0, 1408], sizes = [512, 128], strides = [1, 1]} : vector<512x2048xf32> to vector<512x128xf32>
    %add3A_169 = arith.addf %add3A_167, %slice3A_168 : vector<512x128xf32>
    %lt3A_170 = arith.cmpf olt, %add3A_169, %select_n3A_157 : vector<512x128xf32>
    %select_n3A_171 = arith.select %lt3A_170, %add3A_169, %select_n3A_157 : vector<512x128xi1>, vector<512x128xf32>
    %add3A_172 = arith.constant 1408 : i32
    %add3A_173 = vector.broadcast %add3A_172 : i32 to vector<512x128xi32>
    %add3A_174 = arith.addi %iota3A, %add3A_173 : vector<512x128xi32>
    %select_n3A_175 = arith.select %lt3A_170, %add3A_174, %select_n3A_161 : vector<512x128xi1>, vector<512x128xi32>
    %get3A_176 = arith.constant 0 : index
    %get3A_177 = arith.constant 1536 : index
    %get3A_178 = vector.load %arg3[%get3A_176, %get3A_177] : memref<1x8192xf32, #tpu.memory_space<vmem>>, vector<1x128xf32>
    %add3A_179 = vector.broadcast %get3A_4 : vector<512x1xf32> to vector<512x128xf32>
    %add3A_180 = vector.broadcast %get3A_178 : vector<1x128xf32> to vector<512x128xf32>
    %add3A_181 = arith.addf %add3A_179, %add3A_180 : vector<512x128xf32>
    %slice3A_182 = vector.extract_strided_slice %dot_general3A_11 {offsets = [0, 1536], sizes = [512, 128], strides = [1, 1]} : vector<512x2048xf32> to vector<512x128xf32>
    %add3A_183 = arith.addf %add3A_181, %slice3A_182 : vector<512x128xf32>
    %lt3A_184 = arith.cmpf olt, %add3A_183, %select_n3A_171 : vector<512x128xf32>
    %select_n3A_185 = arith.select %lt3A_184, %add3A_183, %select_n3A_171 : vector<512x128xi1>, vector<512x128xf32>
    %add3A_186 = arith.constant 1536 : i32
    %add3A_187 = vector.broadcast %add3A_186 : i32 to vector<512x128xi32>
    %add3A_188 = arith.addi %iota3A, %add3A_187 : vector<512x128xi32>
    %select_n3A_189 = arith.select %lt3A_184, %add3A_188, %select_n3A_175 : vector<512x128xi1>, vector<512x128xi32>
    %get3A_190 = arith.constant 0 : index
    %get3A_191 = arith.constant 1664 : index
    %get3A_192 = vector.load %arg3[%get3A_190, %get3A_191] : memref<1x8192xf32, #tpu.memory_space<vmem>>, vector<1x128xf32>
    %add3A_193 = vector.broadcast %get3A_4 : vector<512x1xf32> to vector<512x128xf32>
    %add3A_194 = vector.broadcast %get3A_192 : vector<1x128xf32> to vector<512x128xf32>
    %add3A_195 = arith.addf %add3A_193, %add3A_194 : vector<512x128xf32>
    %slice3A_196 = vector.extract_strided_slice %dot_general3A_11 {offsets = [0, 1664], sizes = [512, 128], strides = [1, 1]} : vector<512x2048xf32> to vector<512x128xf32>
    %add3A_197 = arith.addf %add3A_195, %slice3A_196 : vector<512x128xf32>
    %lt3A_198 = arith.cmpf olt, %add3A_197, %select_n3A_185 : vector<512x128xf32>
    %select_n3A_199 = arith.select %lt3A_198, %add3A_197, %select_n3A_185 : vector<512x128xi1>, vector<512x128xf32>
    %add3A_200 = arith.constant 1664 : i32
    %add3A_201 = vector.broadcast %add3A_200 : i32 to vector<512x128xi32>
    %add3A_202 = arith.addi %iota3A, %add3A_201 : vector<512x128xi32>
    %select_n3A_203 = arith.select %lt3A_198, %add3A_202, %select_n3A_189 : vector<512x128xi1>, vector<512x128xi32>
    %get3A_204 = arith.constant 0 : index
    %get3A_205 = arith.constant 1792 : index
    %get3A_206 = vector.load %arg3[%get3A_204, %get3A_205] : memref<1x8192xf32, #tpu.memory_space<vmem>>, vector<1x128xf32>
    %add3A_207 = vector.broadcast %get3A_4 : vector<512x1xf32> to vector<512x128xf32>
    %add3A_208 = vector.broadcast %get3A_206 : vector<1x128xf32> to vector<512x128xf32>
    %add3A_209 = arith.addf %add3A_207, %add3A_208 : vector<512x128xf32>
    %slice3A_210 = vector.extract_strided_slice %dot_general3A_11 {offsets = [0, 1792], sizes = [512, 128], strides = [1, 1]} : vector<512x2048xf32> to vector<512x128xf32>
    %add3A_211 = arith.addf %add3A_209, %slice3A_210 : vector<512x128xf32>
    %lt3A_212 = arith.cmpf olt, %add3A_211, %select_n3A_199 : vector<512x128xf32>
    %select_n3A_213 = arith.select %lt3A_212, %add3A_211, %select_n3A_199 : vector<512x128xi1>, vector<512x128xf32>
    %add3A_214 = arith.constant 1792 : i32
    %add3A_215 = vector.broadcast %add3A_214 : i32 to vector<512x128xi32>
    %add3A_216 = arith.addi %iota3A, %add3A_215 : vector<512x128xi32>
    %select_n3A_217 = arith.select %lt3A_212, %add3A_216, %select_n3A_203 : vector<512x128xi1>, vector<512x128xi32>
    %get3A_218 = arith.constant 0 : index
    %get3A_219 = arith.constant 1920 : index
    %get3A_220 = vector.load %arg3[%get3A_218, %get3A_219] : memref<1x8192xf32, #tpu.memory_space<vmem>>, vector<1x128xf32>
    %add3A_221 = vector.broadcast %get3A_4 : vector<512x1xf32> to vector<512x128xf32>
    %add3A_222 = vector.broadcast %get3A_220 : vector<1x128xf32> to vector<512x128xf32>
    %add3A_223 = arith.addf %add3A_221, %add3A_222 : vector<512x128xf32>
    %slice3A_224 = vector.extract_strided_slice %dot_general3A_11 {offsets = [0, 1920], sizes = [512, 128], strides = [1, 1]} : vector<512x2048xf32> to vector<512x128xf32>
    %add3A_225 = arith.addf %add3A_223, %slice3A_224 : vector<512x128xf32>
    %lt3A_226 = arith.cmpf olt, %add3A_225, %select_n3A_213 : vector<512x128xf32>
    %select_n3A_227 = arith.select %lt3A_226, %add3A_225, %select_n3A_213 : vector<512x128xi1>, vector<512x128xf32>
    %add3A_228 = arith.constant 1920 : i32
    %add3A_229 = vector.broadcast %add3A_228 : i32 to vector<512x128xi32>
    %add3A_230 = arith.addi %iota3A, %add3A_229 : vector<512x128xi32>
    %select_n3A_231 = arith.select %lt3A_226, %add3A_230, %select_n3A_217 : vector<512x128xi1>, vector<512x128xi32>
    %get3A_232 = arith.constant 2048 : index
    %get3A_233 = arith.constant 0 : index
    %get3A_234 = vector.load %arg4[%get3A_232, %get3A_233] : memref<8192x256xf32, #tpu.memory_space<vmem>>, vector<2048x256xf32>
    %dot_general3A_235 = arith.constant dense<0.000000e+00> : vector<512x2048xf32>
    %dot_general3A_236 = tpu.matmul %get3A_1, %get3A_234, %dot_general3A_235 {dimension_numbers = #tpu.dot_dimension_numbers<[1], [1], [0], [0], [0, 0, 1, 0], [], []>, transpose_lhs_hint = false} : vector<512x256xf32>, vector<2048x256xf32>, vector<512x2048xf32> -> vector<512x2048xf32>
    %get3A_237 = arith.constant 0 : index
    %get3A_238 = arith.constant 2048 : index
    %get3A_239 = vector.load %arg3[%get3A_237, %get3A_238] : memref<1x8192xf32, #tpu.memory_space<vmem>>, vector<1x128xf32>
    %add3A_240 = vector.broadcast %get3A_4 : vector<512x1xf32> to vector<512x128xf32>
    %add3A_241 = vector.broadcast %get3A_239 : vector<1x128xf32> to vector<512x128xf32>
    %add3A_242 = arith.addf %add3A_240, %add3A_241 : vector<512x128xf32>
    %slice3A_243 = vector.extract_strided_slice %dot_general3A_236 {offsets = [0, 0], sizes = [512, 128], strides = [1, 1]} : vector<512x2048xf32> to vector<512x128xf32>
    %add3A_244 = arith.addf %add3A_242, %slice3A_243 : vector<512x128xf32>
    %lt3A_245 = arith.cmpf olt, %add3A_244, %select_n3A_227 : vector<512x128xf32>
    %select_n3A_246 = arith.select %lt3A_245, %add3A_244, %select_n3A_227 : vector<512x128xi1>, vector<512x128xf32>
    %add3A_247 = arith.constant 2048 : i32
    %add3A_248 = vector.broadcast %add3A_247 : i32 to vector<512x128xi32>
    %add3A_249 = arith.addi %iota3A, %add3A_248 : vector<512x128xi32>
    %select_n3A_250 = arith.select %lt3A_245, %add3A_249, %select_n3A_231 : vector<512x128xi1>, vector<512x128xi32>
    %get3A_251 = arith.constant 0 : index
    %get3A_252 = arith.constant 2176 : index
    %get3A_253 = vector.load %arg3[%get3A_251, %get3A_252] : memref<1x8192xf32, #tpu.memory_space<vmem>>, vector<1x128xf32>
    %add3A_254 = vector.broadcast %get3A_4 : vector<512x1xf32> to vector<512x128xf32>
    %add3A_255 = vector.broadcast %get3A_253 : vector<1x128xf32> to vector<512x128xf32>
    %add3A_256 = arith.addf %add3A_254, %add3A_255 : vector<512x128xf32>
    %slice3A_257 = vector.extract_strided_slice %dot_general3A_236 {offsets = [0, 128], sizes = [512, 128], strides = [1, 1]} : vector<512x2048xf32> to vector<512x128xf32>
    %add3A_258 = arith.addf %add3A_256, %slice3A_257 : vector<512x128xf32>
    %lt3A_259 = arith.cmpf olt, %add3A_258, %select_n3A_246 : vector<512x128xf32>
    %select_n3A_260 = arith.select %lt3A_259, %add3A_258, %select_n3A_246 : vector<512x128xi1>, vector<512x128xf32>
    %add3A_261 = arith.constant 2176 : i32
    %add3A_262 = vector.broadcast %add3A_261 : i32 to vector<512x128xi32>
    %add3A_263 = arith.addi %iota3A, %add3A_262 : vector<512x128xi32>
    %select_n3A_264 = arith.select %lt3A_259, %add3A_263, %select_n3A_250 : vector<512x128xi1>, vector<512x128xi32>
    %get3A_265 = arith.constant 0 : index
    %get3A_266 = arith.constant 2304 : index
    %get3A_267 = vector.load %arg3[%get3A_265, %get3A_266] : memref<1x8192xf32, #tpu.memory_space<vmem>>, vector<1x128xf32>
    %add3A_268 = vector.broadcast %get3A_4 : vector<512x1xf32> to vector<512x128xf32>
    %add3A_269 = vector.broadcast %get3A_267 : vector<1x128xf32> to vector<512x128xf32>
    %add3A_270 = arith.addf %add3A_268, %add3A_269 : vector<512x128xf32>
    %slice3A_271 = vector.extract_strided_slice %dot_general3A_236 {offsets = [0, 256], sizes = [512, 128], strides = [1, 1]} : vector<512x2048xf32> to vector<512x128xf32>
    %add3A_272 = arith.addf %add3A_270, %slice3A_271 : vector<512x128xf32>
    %lt3A_273 = arith.cmpf olt, %add3A_272, %select_n3A_260 : vector<512x128xf32>
    %select_n3A_274 = arith.select %lt3A_273, %add3A_272, %select_n3A_260 : vector<512x128xi1>, vector<512x128xf32>
    %add3A_275 = arith.constant 2304 : i32
    %add3A_276 = vector.broadcast %add3A_275 : i32 to vector<512x128xi32>
    %add3A_277 = arith.addi %iota3A, %add3A_276 : vector<512x128xi32>
    %select_n3A_278 = arith.select %lt3A_273, %add3A_277, %select_n3A_264 : vector<512x128xi1>, vector<512x128xi32>
    %get3A_279 = arith.constant 0 : index
    %get3A_280 = arith.constant 2432 : index
    %get3A_281 = vector.load %arg3[%get3A_279, %get3A_280] : memref<1x8192xf32, #tpu.memory_space<vmem>>, vector<1x128xf32>
    %add3A_282 = vector.broadcast %get3A_4 : vector<512x1xf32> to vector<512x128xf32>
    %add3A_283 = vector.broadcast %get3A_281 : vector<1x128xf32> to vector<512x128xf32>
    %add3A_284 = arith.addf %add3A_282, %add3A_283 : vector<512x128xf32>
    %slice3A_285 = vector.extract_strided_slice %dot_general3A_236 {offsets = [0, 384], sizes = [512, 128], strides = [1, 1]} : vector<512x2048xf32> to vector<512x128xf32>
    %add3A_286 = arith.addf %add3A_284, %slice3A_285 : vector<512x128xf32>
    %lt3A_287 = arith.cmpf olt, %add3A_286, %select_n3A_274 : vector<512x128xf32>
    %select_n3A_288 = arith.select %lt3A_287, %add3A_286, %select_n3A_274 : vector<512x128xi1>, vector<512x128xf32>
    %add3A_289 = arith.constant 2432 : i32
    %add3A_290 = vector.broadcast %add3A_289 : i32 to vector<512x128xi32>
    %add3A_291 = arith.addi %iota3A, %add3A_290 : vector<512x128xi32>
    %select_n3A_292 = arith.select %lt3A_287, %add3A_291, %select_n3A_278 : vector<512x128xi1>, vector<512x128xi32>
    %get3A_293 = arith.constant 0 : index
    %get3A_294 = arith.constant 2560 : index
    %get3A_295 = vector.load %arg3[%get3A_293, %get3A_294] : memref<1x8192xf32, #tpu.memory_space<vmem>>, vector<1x128xf32>
    %add3A_296 = vector.broadcast %get3A_4 : vector<512x1xf32> to vector<512x128xf32>
    %add3A_297 = vector.broadcast %get3A_295 : vector<1x128xf32> to vector<512x128xf32>
    %add3A_298 = arith.addf %add3A_296, %add3A_297 : vector<512x128xf32>
    %slice3A_299 = vector.extract_strided_slice %dot_general3A_236 {offsets = [0, 512], sizes = [512, 128], strides = [1, 1]} : vector<512x2048xf32> to vector<512x128xf32>
    %add3A_300 = arith.addf %add3A_298, %slice3A_299 : vector<512x128xf32>
    %lt3A_301 = arith.cmpf olt, %add3A_300, %select_n3A_288 : vector<512x128xf32>
    %select_n3A_302 = arith.select %lt3A_301, %add3A_300, %select_n3A_288 : vector<512x128xi1>, vector<512x128xf32>
    %add3A_303 = arith.constant 2560 : i32
    %add3A_304 = vector.broadcast %add3A_303 : i32 to vector<512x128xi32>
    %add3A_305 = arith.addi %iota3A, %add3A_304 : vector<512x128xi32>
    %select_n3A_306 = arith.select %lt3A_301, %add3A_305, %select_n3A_292 : vector<512x128xi1>, vector<512x128xi32>
    %get3A_307 = arith.constant 0 : index
    %get3A_308 = arith.constant 2688 : index
    %get3A_309 = vector.load %arg3[%get3A_307, %get3A_308] : memref<1x8192xf32, #tpu.memory_space<vmem>>, vector<1x128xf32>
    %add3A_310 = vector.broadcast %get3A_4 : vector<512x1xf32> to vector<512x128xf32>
    %add3A_311 = vector.broadcast %get3A_309 : vector<1x128xf32> to vector<512x128xf32>
    %add3A_312 = arith.addf %add3A_310, %add3A_311 : vector<512x128xf32>
    %slice3A_313 = vector.extract_strided_slice %dot_general3A_236 {offsets = [0, 640], sizes = [512, 128], strides = [1, 1]} : vector<512x2048xf32> to vector<512x128xf32>
    %add3A_314 = arith.addf %add3A_312, %slice3A_313 : vector<512x128xf32>
    %lt3A_315 = arith.cmpf olt, %add3A_314, %select_n3A_302 : vector<512x128xf32>
    %select_n3A_316 = arith.select %lt3A_315, %add3A_314, %select_n3A_302 : vector<512x128xi1>, vector<512x128xf32>
    %add3A_317 = arith.constant 2688 : i32
    %add3A_318 = vector.broadcast %add3A_317 : i32 to vector<512x128xi32>
    %add3A_319 = arith.addi %iota3A, %add3A_318 : vector<512x128xi32>
    %select_n3A_320 = arith.select %lt3A_315, %add3A_319, %select_n3A_306 : vector<512x128xi1>, vector<512x128xi32>
    %get3A_321 = arith.constant 0 : index
    %get3A_322 = arith.constant 2816 : index
    %get3A_323 = vector.load %arg3[%get3A_321, %get3A_322] : memref<1x8192xf32, #tpu.memory_space<vmem>>, vector<1x128xf32>
    %add3A_324 = vector.broadcast %get3A_4 : vector<512x1xf32> to vector<512x128xf32>
    %add3A_325 = vector.broadcast %get3A_323 : vector<1x128xf32> to vector<512x128xf32>
    %add3A_326 = arith.addf %add3A_324, %add3A_325 : vector<512x128xf32>
    %slice3A_327 = vector.extract_strided_slice %dot_general3A_236 {offsets = [0, 768], sizes = [512, 128], strides = [1, 1]} : vector<512x2048xf32> to vector<512x128xf32>
    %add3A_328 = arith.addf %add3A_326, %slice3A_327 : vector<512x128xf32>
    %lt3A_329 = arith.cmpf olt, %add3A_328, %select_n3A_316 : vector<512x128xf32>
    %select_n3A_330 = arith.select %lt3A_329, %add3A_328, %select_n3A_316 : vector<512x128xi1>, vector<512x128xf32>
    %add3A_331 = arith.constant 2816 : i32
    %add3A_332 = vector.broadcast %add3A_331 : i32 to vector<512x128xi32>
    %add3A_333 = arith.addi %iota3A, %add3A_332 : vector<512x128xi32>
    %select_n3A_334 = arith.select %lt3A_329, %add3A_333, %select_n3A_320 : vector<512x128xi1>, vector<512x128xi32>
    %get3A_335 = arith.constant 0 : index
    %get3A_336 = arith.constant 2944 : index
    %get3A_337 = vector.load %arg3[%get3A_335, %get3A_336] : memref<1x8192xf32, #tpu.memory_space<vmem>>, vector<1x128xf32>
    %add3A_338 = vector.broadcast %get3A_4 : vector<512x1xf32> to vector<512x128xf32>
    %add3A_339 = vector.broadcast %get3A_337 : vector<1x128xf32> to vector<512x128xf32>
    %add3A_340 = arith.addf %add3A_338, %add3A_339 : vector<512x128xf32>
    %slice3A_341 = vector.extract_strided_slice %dot_general3A_236 {offsets = [0, 896], sizes = [512, 128], strides = [1, 1]} : vector<512x2048xf32> to vector<512x128xf32>
    %add3A_342 = arith.addf %add3A_340, %slice3A_341 : vector<512x128xf32>
    %lt3A_343 = arith.cmpf olt, %add3A_342, %select_n3A_330 : vector<512x128xf32>
    %select_n3A_344 = arith.select %lt3A_343, %add3A_342, %select_n3A_330 : vector<512x128xi1>, vector<512x128xf32>
    %add3A_345 = arith.constant 2944 : i32
    %add3A_346 = vector.broadcast %add3A_345 : i32 to vector<512x128xi32>
    %add3A_347 = arith.addi %iota3A, %add3A_346 : vector<512x128xi32>
    %select_n3A_348 = arith.select %lt3A_343, %add3A_347, %select_n3A_334 : vector<512x128xi1>, vector<512x128xi32>
    %get3A_349 = arith.constant 0 : index
    %get3A_350 = arith.constant 3072 : index
    %get3A_351 = vector.load %arg3[%get3A_349, %get3A_350] : memref<1x8192xf32, #tpu.memory_space<vmem>>, vector<1x128xf32>
    %add3A_352 = vector.broadcast %get3A_4 : vector<512x1xf32> to vector<512x128xf32>
    %add3A_353 = vector.broadcast %get3A_351 : vector<1x128xf32> to vector<512x128xf32>
    %add3A_354 = arith.addf %add3A_352, %add3A_353 : vector<512x128xf32>
    %slice3A_355 = vector.extract_strided_slice %dot_general3A_236 {offsets = [0, 1024], sizes = [512, 128], strides = [1, 1]} : vector<512x2048xf32> to vector<512x128xf32>
    %add3A_356 = arith.addf %add3A_354, %slice3A_355 : vector<512x128xf32>
    %lt3A_357 = arith.cmpf olt, %add3A_356, %select_n3A_344 : vector<512x128xf32>
    %select_n3A_358 = arith.select %lt3A_357, %add3A_356, %select_n3A_344 : vector<512x128xi1>, vector<512x128xf32>
    %add3A_359 = arith.constant 3072 : i32
    %add3A_360 = vector.broadcast %add3A_359 : i32 to vector<512x128xi32>
    %add3A_361 = arith.addi %iota3A, %add3A_360 : vector<512x128xi32>
    %select_n3A_362 = arith.select %lt3A_357, %add3A_361, %select_n3A_348 : vector<512x128xi1>, vector<512x128xi32>
    %get3A_363 = arith.constant 0 : index
    %get3A_364 = arith.constant 3200 : index
    %get3A_365 = vector.load %arg3[%get3A_363, %get3A_364] : memref<1x8192xf32, #tpu.memory_space<vmem>>, vector<1x128xf32>
    %add3A_366 = vector.broadcast %get3A_4 : vector<512x1xf32> to vector<512x128xf32>
    %add3A_367 = vector.broadcast %get3A_365 : vector<1x128xf32> to vector<512x128xf32>
    %add3A_368 = arith.addf %add3A_366, %add3A_367 : vector<512x128xf32>
    %slice3A_369 = vector.extract_strided_slice %dot_general3A_236 {offsets = [0, 1152], sizes = [512, 128], strides = [1, 1]} : vector<512x2048xf32> to vector<512x128xf32>
    %add3A_370 = arith.addf %add3A_368, %slice3A_369 : vector<512x128xf32>
    %lt3A_371 = arith.cmpf olt, %add3A_370, %select_n3A_358 : vector<512x128xf32>
    %select_n3A_372 = arith.select %lt3A_371, %add3A_370, %select_n3A_358 : vector<512x128xi1>, vector<512x128xf32>
    %add3A_373 = arith.constant 3200 : i32
    %add3A_374 = vector.broadcast %add3A_373 : i32 to vector<512x128xi32>
    %add3A_375 = arith.addi %iota3A, %add3A_374 : vector<512x128xi32>
    %select_n3A_376 = arith.select %lt3A_371, %add3A_375, %select_n3A_362 : vector<512x128xi1>, vector<512x128xi32>
    %get3A_377 = arith.constant 0 : index
    %get3A_378 = arith.constant 3328 : index
    %get3A_379 = vector.load %arg3[%get3A_377, %get3A_378] : memref<1x8192xf32, #tpu.memory_space<vmem>>, vector<1x128xf32>
    %add3A_380 = vector.broadcast %get3A_4 : vector<512x1xf32> to vector<512x128xf32>
    %add3A_381 = vector.broadcast %get3A_379 : vector<1x128xf32> to vector<512x128xf32>
    %add3A_382 = arith.addf %add3A_380, %add3A_381 : vector<512x128xf32>
    %slice3A_383 = vector.extract_strided_slice %dot_general3A_236 {offsets = [0, 1280], sizes = [512, 128], strides = [1, 1]} : vector<512x2048xf32> to vector<512x128xf32>
    %add3A_384 = arith.addf %add3A_382, %slice3A_383 : vector<512x128xf32>
    %lt3A_385 = arith.cmpf olt, %add3A_384, %select_n3A_372 : vector<512x128xf32>
    %select_n3A_386 = arith.select %lt3A_385, %add3A_384, %select_n3A_372 : vector<512x128xi1>, vector<512x128xf32>
    %add3A_387 = arith.constant 3328 : i32
    %add3A_388 = vector.broadcast %add3A_387 : i32 to vector<512x128xi32>
    %add3A_389 = arith.addi %iota3A, %add3A_388 : vector<512x128xi32>
    %select_n3A_390 = arith.select %lt3A_385, %add3A_389, %select_n3A_376 : vector<512x128xi1>, vector<512x128xi32>
    %get3A_391 = arith.constant 0 : index
    %get3A_392 = arith.constant 3456 : index
    %get3A_393 = vector.load %arg3[%get3A_391, %get3A_392] : memref<1x8192xf32, #tpu.memory_space<vmem>>, vector<1x128xf32>
    %add3A_394 = vector.broadcast %get3A_4 : vector<512x1xf32> to vector<512x128xf32>
    %add3A_395 = vector.broadcast %get3A_393 : vector<1x128xf32> to vector<512x128xf32>
    %add3A_396 = arith.addf %add3A_394, %add3A_395 : vector<512x128xf32>
    %slice3A_397 = vector.extract_strided_slice %dot_general3A_236 {offsets = [0, 1408], sizes = [512, 128], strides = [1, 1]} : vector<512x2048xf32> to vector<512x128xf32>
    %add3A_398 = arith.addf %add3A_396, %slice3A_397 : vector<512x128xf32>
    %lt3A_399 = arith.cmpf olt, %add3A_398, %select_n3A_386 : vector<512x128xf32>
    %select_n3A_400 = arith.select %lt3A_399, %add3A_398, %select_n3A_386 : vector<512x128xi1>, vector<512x128xf32>
    %add3A_401 = arith.constant 3456 : i32
    %add3A_402 = vector.broadcast %add3A_401 : i32 to vector<512x128xi32>
    %add3A_403 = arith.addi %iota3A, %add3A_402 : vector<512x128xi32>
    %select_n3A_404 = arith.select %lt3A_399, %add3A_403, %select_n3A_390 : vector<512x128xi1>, vector<512x128xi32>
    %get3A_405 = arith.constant 0 : index
    %get3A_406 = arith.constant 3584 : index
    %get3A_407 = vector.load %arg3[%get3A_405, %get3A_406] : memref<1x8192xf32, #tpu.memory_space<vmem>>, vector<1x128xf32>
    %add3A_408 = vector.broadcast %get3A_4 : vector<512x1xf32> to vector<512x128xf32>
    %add3A_409 = vector.broadcast %get3A_407 : vector<1x128xf32> to vector<512x128xf32>
    %add3A_410 = arith.addf %add3A_408, %add3A_409 : vector<512x128xf32>
    %slice3A_411 = vector.extract_strided_slice %dot_general3A_236 {offsets = [0, 1536], sizes = [512, 128], strides = [1, 1]} : vector<512x2048xf32> to vector<512x128xf32>
    %add3A_412 = arith.addf %add3A_410, %slice3A_411 : vector<512x128xf32>
    %lt3A_413 = arith.cmpf olt, %add3A_412, %select_n3A_400 : vector<512x128xf32>
    %select_n3A_414 = arith.select %lt3A_413, %add3A_412, %select_n3A_400 : vector<512x128xi1>, vector<512x128xf32>
    %add3A_415 = arith.constant 3584 : i32
    %add3A_416 = vector.broadcast %add3A_415 : i32 to vector<512x128xi32>
    %add3A_417 = arith.addi %iota3A, %add3A_416 : vector<512x128xi32>
    %select_n3A_418 = arith.select %lt3A_413, %add3A_417, %select_n3A_404 : vector<512x128xi1>, vector<512x128xi32>
    %get3A_419 = arith.constant 0 : index
    %get3A_420 = arith.constant 3712 : index
    %get3A_421 = vector.load %arg3[%get3A_419, %get3A_420] : memref<1x8192xf32, #tpu.memory_space<vmem>>, vector<1x128xf32>
    %add3A_422 = vector.broadcast %get3A_4 : vector<512x1xf32> to vector<512x128xf32>
    %add3A_423 = vector.broadcast %get3A_421 : vector<1x128xf32> to vector<512x128xf32>
    %add3A_424 = arith.addf %add3A_422, %add3A_423 : vector<512x128xf32>
    %slice3A_425 = vector.extract_strided_slice %dot_general3A_236 {offsets = [0, 1664], sizes = [512, 128], strides = [1, 1]} : vector<512x2048xf32> to vector<512x128xf32>
    %add3A_426 = arith.addf %add3A_424, %slice3A_425 : vector<512x128xf32>
    %lt3A_427 = arith.cmpf olt, %add3A_426, %select_n3A_414 : vector<512x128xf32>
    %select_n3A_428 = arith.select %lt3A_427, %add3A_426, %select_n3A_414 : vector<512x128xi1>, vector<512x128xf32>
    %add3A_429 = arith.constant 3712 : i32
    %add3A_430 = vector.broadcast %add3A_429 : i32 to vector<512x128xi32>
    %add3A_431 = arith.addi %iota3A, %add3A_430 : vector<512x128xi32>
    %select_n3A_432 = arith.select %lt3A_427, %add3A_431, %select_n3A_418 : vector<512x128xi1>, vector<512x128xi32>
    %get3A_433 = arith.constant 0 : index
    %get3A_434 = arith.constant 3840 : index
    %get3A_435 = vector.load %arg3[%get3A_433, %get3A_434] : memref<1x8192xf32, #tpu.memory_space<vmem>>, vector<1x128xf32>
    %add3A_436 = vector.broadcast %get3A_4 : vector<512x1xf32> to vector<512x128xf32>
    %add3A_437 = vector.broadcast %get3A_435 : vector<1x128xf32> to vector<512x128xf32>
    %add3A_438 = arith.addf %add3A_436, %add3A_437 : vector<512x128xf32>
    %slice3A_439 = vector.extract_strided_slice %dot_general3A_236 {offsets = [0, 1792], sizes = [512, 128], strides = [1, 1]} : vector<512x2048xf32> to vector<512x128xf32>
    %add3A_440 = arith.addf %add3A_438, %slice3A_439 : vector<512x128xf32>
    %lt3A_441 = arith.cmpf olt, %add3A_440, %select_n3A_428 : vector<512x128xf32>
    %select_n3A_442 = arith.select %lt3A_441, %add3A_440, %select_n3A_428 : vector<512x128xi1>, vector<512x128xf32>
    %add3A_443 = arith.constant 3840 : i32
    %add3A_444 = vector.broadcast %add3A_443 : i32 to vector<512x128xi32>
    %add3A_445 = arith.addi %iota3A, %add3A_444 : vector<512x128xi32>
    %select_n3A_446 = arith.select %lt3A_441, %add3A_445, %select_n3A_432 : vector<512x128xi1>, vector<512x128xi32>
    %get3A_447 = arith.constant 0 : index
    %get3A_448 = arith.constant 3968 : index
    %get3A_449 = vector.load %arg3[%get3A_447, %get3A_448] : memref<1x8192xf32, #tpu.memory_space<vmem>>, vector<1x128xf32>
    %add3A_450 = vector.broadcast %get3A_4 : vector<512x1xf32> to vector<512x128xf32>
    %add3A_451 = vector.broadcast %get3A_449 : vector<1x128xf32> to vector<512x128xf32>
    %add3A_452 = arith.addf %add3A_450, %add3A_451 : vector<512x128xf32>
    %slice3A_453 = vector.extract_strided_slice %dot_general3A_236 {offsets = [0, 1920], sizes = [512, 128], strides = [1, 1]} : vector<512x2048xf32> to vector<512x128xf32>
    %add3A_454 = arith.addf %add3A_452, %slice3A_453 : vector<512x128xf32>
    %lt3A_455 = arith.cmpf olt, %add3A_454, %select_n3A_442 : vector<512x128xf32>
    %select_n3A_456 = arith.select %lt3A_455, %add3A_454, %select_n3A_442 : vector<512x128xi1>, vector<512x128xf32>
    %add3A_457 = arith.constant 3968 : i32
    %add3A_458 = vector.broadcast %add3A_457 : i32 to vector<512x128xi32>
    %add3A_459 = arith.addi %iota3A, %add3A_458 : vector<512x128xi32>
    %select_n3A_460 = arith.select %lt3A_455, %add3A_459, %select_n3A_446 : vector<512x128xi1>, vector<512x128xi32>
    %get3A_461 = arith.constant 4096 : index
    %get3A_462 = arith.constant 0 : index
    %get3A_463 = vector.load %arg4[%get3A_461, %get3A_462] : memref<8192x256xf32, #tpu.memory_space<vmem>>, vector<2048x256xf32>
    %dot_general3A_464 = arith.constant dense<0.000000e+00> : vector<512x2048xf32>
    %dot_general3A_465 = tpu.matmul %get3A_1, %get3A_463, %dot_general3A_464 {dimension_numbers = #tpu.dot_dimension_numbers<[1], [1], [0], [0], [0, 0, 1, 0], [], []>, transpose_lhs_hint = false} : vector<512x256xf32>, vector<2048x256xf32>, vector<512x2048xf32> -> vector<512x2048xf32>
    %get3A_466 = arith.constant 0 : index
    %get3A_467 = arith.constant 4096 : index
    %get3A_468 = vector.load %arg3[%get3A_466, %get3A_467] : memref<1x8192xf32, #tpu.memory_space<vmem>>, vector<1x128xf32>
    %add3A_469 = vector.broadcast %get3A_4 : vector<512x1xf32> to vector<512x128xf32>
    %add3A_470 = vector.broadcast %get3A_468 : vector<1x128xf32> to vector<512x128xf32>
    %add3A_471 = arith.addf %add3A_469, %add3A_470 : vector<512x128xf32>
    %slice3A_472 = vector.extract_strided_slice %dot_general3A_465 {offsets = [0, 0], sizes = [512, 128], strides = [1, 1]} : vector<512x2048xf32> to vector<512x128xf32>
    %add3A_473 = arith.addf %add3A_471, %slice3A_472 : vector<512x128xf32>
    %lt3A_474 = arith.cmpf olt, %add3A_473, %select_n3A_456 : vector<512x128xf32>
    %select_n3A_475 = arith.select %lt3A_474, %add3A_473, %select_n3A_456 : vector<512x128xi1>, vector<512x128xf32>
    %add3A_476 = arith.constant 4096 : i32
    %add3A_477 = vector.broadcast %add3A_476 : i32 to vector<512x128xi32>
    %add3A_478 = arith.addi %iota3A, %add3A_477 : vector<512x128xi32>
    %select_n3A_479 = arith.select %lt3A_474, %add3A_478, %select_n3A_460 : vector<512x128xi1>, vector<512x128xi32>
    %get3A_480 = arith.constant 0 : index
    %get3A_481 = arith.constant 4224 : index
    %get3A_482 = vector.load %arg3[%get3A_480, %get3A_481] : memref<1x8192xf32, #tpu.memory_space<vmem>>, vector<1x128xf32>
    %add3A_483 = vector.broadcast %get3A_4 : vector<512x1xf32> to vector<512x128xf32>
    %add3A_484 = vector.broadcast %get3A_482 : vector<1x128xf32> to vector<512x128xf32>
    %add3A_485 = arith.addf %add3A_483, %add3A_484 : vector<512x128xf32>
    %slice3A_486 = vector.extract_strided_slice %dot_general3A_465 {offsets = [0, 128], sizes = [512, 128], strides = [1, 1]} : vector<512x2048xf32> to vector<512x128xf32>
    %add3A_487 = arith.addf %add3A_485, %slice3A_486 : vector<512x128xf32>
    %lt3A_488 = arith.cmpf olt, %add3A_487, %select_n3A_475 : vector<512x128xf32>
    %select_n3A_489 = arith.select %lt3A_488, %add3A_487, %select_n3A_475 : vector<512x128xi1>, vector<512x128xf32>
    %add3A_490 = arith.constant 4224 : i32
    %add3A_491 = vector.broadcast %add3A_490 : i32 to vector<512x128xi32>
    %add3A_492 = arith.addi %iota3A, %add3A_491 : vector<512x128xi32>
    %select_n3A_493 = arith.select %lt3A_488, %add3A_492, %select_n3A_479 : vector<512x128xi1>, vector<512x128xi32>
    %get3A_494 = arith.constant 0 : index
    %get3A_495 = arith.constant 4352 : index
    %get3A_496 = vector.load %arg3[%get3A_494, %get3A_495] : memref<1x8192xf32, #tpu.memory_space<vmem>>, vector<1x128xf32>
    %add3A_497 = vector.broadcast %get3A_4 : vector<512x1xf32> to vector<512x128xf32>
    %add3A_498 = vector.broadcast %get3A_496 : vector<1x128xf32> to vector<512x128xf32>
    %add3A_499 = arith.addf %add3A_497, %add3A_498 : vector<512x128xf32>
    %slice3A_500 = vector.extract_strided_slice %dot_general3A_465 {offsets = [0, 256], sizes = [512, 128], strides = [1, 1]} : vector<512x2048xf32> to vector<512x128xf32>
    %add3A_501 = arith.addf %add3A_499, %slice3A_500 : vector<512x128xf32>
    %lt3A_502 = arith.cmpf olt, %add3A_501, %select_n3A_489 : vector<512x128xf32>
    %select_n3A_503 = arith.select %lt3A_502, %add3A_501, %select_n3A_489 : vector<512x128xi1>, vector<512x128xf32>
    %add3A_504 = arith.constant 4352 : i32
    %add3A_505 = vector.broadcast %add3A_504 : i32 to vector<512x128xi32>
    %add3A_506 = arith.addi %iota3A, %add3A_505 : vector<512x128xi32>
    %select_n3A_507 = arith.select %lt3A_502, %add3A_506, %select_n3A_493 : vector<512x128xi1>, vector<512x128xi32>
    %get3A_508 = arith.constant 0 : index
    %get3A_509 = arith.constant 4480 : index
    %get3A_510 = vector.load %arg3[%get3A_508, %get3A_509] : memref<1x8192xf32, #tpu.memory_space<vmem>>, vector<1x128xf32>
    %add3A_511 = vector.broadcast %get3A_4 : vector<512x1xf32> to vector<512x128xf32>
    %add3A_512 = vector.broadcast %get3A_510 : vector<1x128xf32> to vector<512x128xf32>
    %add3A_513 = arith.addf %add3A_511, %add3A_512 : vector<512x128xf32>
    %slice3A_514 = vector.extract_strided_slice %dot_general3A_465 {offsets = [0, 384], sizes = [512, 128], strides = [1, 1]} : vector<512x2048xf32> to vector<512x128xf32>
    %add3A_515 = arith.addf %add3A_513, %slice3A_514 : vector<512x128xf32>
    %lt3A_516 = arith.cmpf olt, %add3A_515, %select_n3A_503 : vector<512x128xf32>
    %select_n3A_517 = arith.select %lt3A_516, %add3A_515, %select_n3A_503 : vector<512x128xi1>, vector<512x128xf32>
    %add3A_518 = arith.constant 4480 : i32
    %add3A_519 = vector.broadcast %add3A_518 : i32 to vector<512x128xi32>
    %add3A_520 = arith.addi %iota3A, %add3A_519 : vector<512x128xi32>
    %select_n3A_521 = arith.select %lt3A_516, %add3A_520, %select_n3A_507 : vector<512x128xi1>, vector<512x128xi32>
    %get3A_522 = arith.constant 0 : index
    %get3A_523 = arith.constant 4608 : index
    %get3A_524 = vector.load %arg3[%get3A_522, %get3A_523] : memref<1x8192xf32, #tpu.memory_space<vmem>>, vector<1x128xf32>
    %add3A_525 = vector.broadcast %get3A_4 : vector<512x1xf32> to vector<512x128xf32>
    %add3A_526 = vector.broadcast %get3A_524 : vector<1x128xf32> to vector<512x128xf32>
    %add3A_527 = arith.addf %add3A_525, %add3A_526 : vector<512x128xf32>
    %slice3A_528 = vector.extract_strided_slice %dot_general3A_465 {offsets = [0, 512], sizes = [512, 128], strides = [1, 1]} : vector<512x2048xf32> to vector<512x128xf32>
    %add3A_529 = arith.addf %add3A_527, %slice3A_528 : vector<512x128xf32>
    %lt3A_530 = arith.cmpf olt, %add3A_529, %select_n3A_517 : vector<512x128xf32>
    %select_n3A_531 = arith.select %lt3A_530, %add3A_529, %select_n3A_517 : vector<512x128xi1>, vector<512x128xf32>
    %add3A_532 = arith.constant 4608 : i32
    %add3A_533 = vector.broadcast %add3A_532 : i32 to vector<512x128xi32>
    %add3A_534 = arith.addi %iota3A, %add3A_533 : vector<512x128xi32>
    %select_n3A_535 = arith.select %lt3A_530, %add3A_534, %select_n3A_521 : vector<512x128xi1>, vector<512x128xi32>
    %get3A_536 = arith.constant 0 : index
    %get3A_537 = arith.constant 4736 : index
    %get3A_538 = vector.load %arg3[%get3A_536, %get3A_537] : memref<1x8192xf32, #tpu.memory_space<vmem>>, vector<1x128xf32>
    %add3A_539 = vector.broadcast %get3A_4 : vector<512x1xf32> to vector<512x128xf32>
    %add3A_540 = vector.broadcast %get3A_538 : vector<1x128xf32> to vector<512x128xf32>
    %add3A_541 = arith.addf %add3A_539, %add3A_540 : vector<512x128xf32>
    %slice3A_542 = vector.extract_strided_slice %dot_general3A_465 {offsets = [0, 640], sizes = [512, 128], strides = [1, 1]} : vector<512x2048xf32> to vector<512x128xf32>
    %add3A_543 = arith.addf %add3A_541, %slice3A_542 : vector<512x128xf32>
    %lt3A_544 = arith.cmpf olt, %add3A_543, %select_n3A_531 : vector<512x128xf32>
    %select_n3A_545 = arith.select %lt3A_544, %add3A_543, %select_n3A_531 : vector<512x128xi1>, vector<512x128xf32>
    %add3A_546 = arith.constant 4736 : i32
    %add3A_547 = vector.broadcast %add3A_546 : i32 to vector<512x128xi32>
    %add3A_548 = arith.addi %iota3A, %add3A_547 : vector<512x128xi32>
    %select_n3A_549 = arith.select %lt3A_544, %add3A_548, %select_n3A_535 : vector<512x128xi1>, vector<512x128xi32>
    %get3A_550 = arith.constant 0 : index
    %get3A_551 = arith.constant 4864 : index
    %get3A_552 = vector.load %arg3[%get3A_550, %get3A_551] : memref<1x8192xf32, #tpu.memory_space<vmem>>, vector<1x128xf32>
    %add3A_553 = vector.broadcast %get3A_4 : vector<512x1xf32> to vector<512x128xf32>
    %add3A_554 = vector.broadcast %get3A_552 : vector<1x128xf32> to vector<512x128xf32>
    %add3A_555 = arith.addf %add3A_553, %add3A_554 : vector<512x128xf32>
    %slice3A_556 = vector.extract_strided_slice %dot_general3A_465 {offsets = [0, 768], sizes = [512, 128], strides = [1, 1]} : vector<512x2048xf32> to vector<512x128xf32>
    %add3A_557 = arith.addf %add3A_555, %slice3A_556 : vector<512x128xf32>
    %lt3A_558 = arith.cmpf olt, %add3A_557, %select_n3A_545 : vector<512x128xf32>
    %select_n3A_559 = arith.select %lt3A_558, %add3A_557, %select_n3A_545 : vector<512x128xi1>, vector<512x128xf32>
    %add3A_560 = arith.constant 4864 : i32
    %add3A_561 = vector.broadcast %add3A_560 : i32 to vector<512x128xi32>
    %add3A_562 = arith.addi %iota3A, %add3A_561 : vector<512x128xi32>
    %select_n3A_563 = arith.select %lt3A_558, %add3A_562, %select_n3A_549 : vector<512x128xi1>, vector<512x128xi32>
    %get3A_564 = arith.constant 0 : index
    %get3A_565 = arith.constant 4992 : index
    %get3A_566 = vector.load %arg3[%get3A_564, %get3A_565] : memref<1x8192xf32, #tpu.memory_space<vmem>>, vector<1x128xf32>
    %add3A_567 = vector.broadcast %get3A_4 : vector<512x1xf32> to vector<512x128xf32>
    %add3A_568 = vector.broadcast %get3A_566 : vector<1x128xf32> to vector<512x128xf32>
    %add3A_569 = arith.addf %add3A_567, %add3A_568 : vector<512x128xf32>
    %slice3A_570 = vector.extract_strided_slice %dot_general3A_465 {offsets = [0, 896], sizes = [512, 128], strides = [1, 1]} : vector<512x2048xf32> to vector<512x128xf32>
    %add3A_571 = arith.addf %add3A_569, %slice3A_570 : vector<512x128xf32>
    %lt3A_572 = arith.cmpf olt, %add3A_571, %select_n3A_559 : vector<512x128xf32>
    %select_n3A_573 = arith.select %lt3A_572, %add3A_571, %select_n3A_559 : vector<512x128xi1>, vector<512x128xf32>
    %add3A_574 = arith.constant 4992 : i32
    %add3A_575 = vector.broadcast %add3A_574 : i32 to vector<512x128xi32>
    %add3A_576 = arith.addi %iota3A, %add3A_575 : vector<512x128xi32>
    %select_n3A_577 = arith.select %lt3A_572, %add3A_576, %select_n3A_563 : vector<512x128xi1>, vector<512x128xi32>
    %get3A_578 = arith.constant 0 : index
    %get3A_579 = arith.constant 5120 : index
    %get3A_580 = vector.load %arg3[%get3A_578, %get3A_579] : memref<1x8192xf32, #tpu.memory_space<vmem>>, vector<1x128xf32>
    %add3A_581 = vector.broadcast %get3A_4 : vector<512x1xf32> to vector<512x128xf32>
    %add3A_582 = vector.broadcast %get3A_580 : vector<1x128xf32> to vector<512x128xf32>
    %add3A_583 = arith.addf %add3A_581, %add3A_582 : vector<512x128xf32>
    %slice3A_584 = vector.extract_strided_slice %dot_general3A_465 {offsets = [0, 1024], sizes = [512, 128], strides = [1, 1]} : vector<512x2048xf32> to vector<512x128xf32>
    %add3A_585 = arith.addf %add3A_583, %slice3A_584 : vector<512x128xf32>
    %lt3A_586 = arith.cmpf olt, %add3A_585, %select_n3A_573 : vector<512x128xf32>
    %select_n3A_587 = arith.select %lt3A_586, %add3A_585, %select_n3A_573 : vector<512x128xi1>, vector<512x128xf32>
    %add3A_588 = arith.constant 5120 : i32
    %add3A_589 = vector.broadcast %add3A_588 : i32 to vector<512x128xi32>
    %add3A_590 = arith.addi %iota3A, %add3A_589 : vector<512x128xi32>
    %select_n3A_591 = arith.select %lt3A_586, %add3A_590, %select_n3A_577 : vector<512x128xi1>, vector<512x128xi32>
    %get3A_592 = arith.constant 0 : index
    %get3A_593 = arith.constant 5248 : index
    %get3A_594 = vector.load %arg3[%get3A_592, %get3A_593] : memref<1x8192xf32, #tpu.memory_space<vmem>>, vector<1x128xf32>
    %add3A_595 = vector.broadcast %get3A_4 : vector<512x1xf32> to vector<512x128xf32>
    %add3A_596 = vector.broadcast %get3A_594 : vector<1x128xf32> to vector<512x128xf32>
    %add3A_597 = arith.addf %add3A_595, %add3A_596 : vector<512x128xf32>
    %slice3A_598 = vector.extract_strided_slice %dot_general3A_465 {offsets = [0, 1152], sizes = [512, 128], strides = [1, 1]} : vector<512x2048xf32> to vector<512x128xf32>
    %add3A_599 = arith.addf %add3A_597, %slice3A_598 : vector<512x128xf32>
    %lt3A_600 = arith.cmpf olt, %add3A_599, %select_n3A_587 : vector<512x128xf32>
    %select_n3A_601 = arith.select %lt3A_600, %add3A_599, %select_n3A_587 : vector<512x128xi1>, vector<512x128xf32>
    %add3A_602 = arith.constant 5248 : i32
    %add3A_603 = vector.broadcast %add3A_602 : i32 to vector<512x128xi32>
    %add3A_604 = arith.addi %iota3A, %add3A_603 : vector<512x128xi32>
    %select_n3A_605 = arith.select %lt3A_600, %add3A_604, %select_n3A_591 : vector<512x128xi1>, vector<512x128xi32>
    %get3A_606 = arith.constant 0 : index
    %get3A_607 = arith.constant 5376 : index
    %get3A_608 = vector.load %arg3[%get3A_606, %get3A_607] : memref<1x8192xf32, #tpu.memory_space<vmem>>, vector<1x128xf32>
    %add3A_609 = vector.broadcast %get3A_4 : vector<512x1xf32> to vector<512x128xf32>
    %add3A_610 = vector.broadcast %get3A_608 : vector<1x128xf32> to vector<512x128xf32>
    %add3A_611 = arith.addf %add3A_609, %add3A_610 : vector<512x128xf32>
    %slice3A_612 = vector.extract_strided_slice %dot_general3A_465 {offsets = [0, 1280], sizes = [512, 128], strides = [1, 1]} : vector<512x2048xf32> to vector<512x128xf32>
    %add3A_613 = arith.addf %add3A_611, %slice3A_612 : vector<512x128xf32>
    %lt3A_614 = arith.cmpf olt, %add3A_613, %select_n3A_601 : vector<512x128xf32>
    %select_n3A_615 = arith.select %lt3A_614, %add3A_613, %select_n3A_601 : vector<512x128xi1>, vector<512x128xf32>
    %add3A_616 = arith.constant 5376 : i32
    %add3A_617 = vector.broadcast %add3A_616 : i32 to vector<512x128xi32>
    %add3A_618 = arith.addi %iota3A, %add3A_617 : vector<512x128xi32>
    %select_n3A_619 = arith.select %lt3A_614, %add3A_618, %select_n3A_605 : vector<512x128xi1>, vector<512x128xi32>
    %get3A_620 = arith.constant 0 : index
    %get3A_621 = arith.constant 5504 : index
    %get3A_622 = vector.load %arg3[%get3A_620, %get3A_621] : memref<1x8192xf32, #tpu.memory_space<vmem>>, vector<1x128xf32>
    %add3A_623 = vector.broadcast %get3A_4 : vector<512x1xf32> to vector<512x128xf32>
    %add3A_624 = vector.broadcast %get3A_622 : vector<1x128xf32> to vector<512x128xf32>
    %add3A_625 = arith.addf %add3A_623, %add3A_624 : vector<512x128xf32>
    %slice3A_626 = vector.extract_strided_slice %dot_general3A_465 {offsets = [0, 1408], sizes = [512, 128], strides = [1, 1]} : vector<512x2048xf32> to vector<512x128xf32>
    %add3A_627 = arith.addf %add3A_625, %slice3A_626 : vector<512x128xf32>
    %lt3A_628 = arith.cmpf olt, %add3A_627, %select_n3A_615 : vector<512x128xf32>
    %select_n3A_629 = arith.select %lt3A_628, %add3A_627, %select_n3A_615 : vector<512x128xi1>, vector<512x128xf32>
    %add3A_630 = arith.constant 5504 : i32
    %add3A_631 = vector.broadcast %add3A_630 : i32 to vector<512x128xi32>
    %add3A_632 = arith.addi %iota3A, %add3A_631 : vector<512x128xi32>
    %select_n3A_633 = arith.select %lt3A_628, %add3A_632, %select_n3A_619 : vector<512x128xi1>, vector<512x128xi32>
    %get3A_634 = arith.constant 0 : index
    %get3A_635 = arith.constant 5632 : index
    %get3A_636 = vector.load %arg3[%get3A_634, %get3A_635] : memref<1x8192xf32, #tpu.memory_space<vmem>>, vector<1x128xf32>
    %add3A_637 = vector.broadcast %get3A_4 : vector<512x1xf32> to vector<512x128xf32>
    %add3A_638 = vector.broadcast %get3A_636 : vector<1x128xf32> to vector<512x128xf32>
    %add3A_639 = arith.addf %add3A_637, %add3A_638 : vector<512x128xf32>
    %slice3A_640 = vector.extract_strided_slice %dot_general3A_465 {offsets = [0, 1536], sizes = [512, 128], strides = [1, 1]} : vector<512x2048xf32> to vector<512x128xf32>
    %add3A_641 = arith.addf %add3A_639, %slice3A_640 : vector<512x128xf32>
    %lt3A_642 = arith.cmpf olt, %add3A_641, %select_n3A_629 : vector<512x128xf32>
    %select_n3A_643 = arith.select %lt3A_642, %add3A_641, %select_n3A_629 : vector<512x128xi1>, vector<512x128xf32>
    %add3A_644 = arith.constant 5632 : i32
    %add3A_645 = vector.broadcast %add3A_644 : i32 to vector<512x128xi32>
    %add3A_646 = arith.addi %iota3A, %add3A_645 : vector<512x128xi32>
    %select_n3A_647 = arith.select %lt3A_642, %add3A_646, %select_n3A_633 : vector<512x128xi1>, vector<512x128xi32>
    %get3A_648 = arith.constant 0 : index
    %get3A_649 = arith.constant 5760 : index
    %get3A_650 = vector.load %arg3[%get3A_648, %get3A_649] : memref<1x8192xf32, #tpu.memory_space<vmem>>, vector<1x128xf32>
    %add3A_651 = vector.broadcast %get3A_4 : vector<512x1xf32> to vector<512x128xf32>
    %add3A_652 = vector.broadcast %get3A_650 : vector<1x128xf32> to vector<512x128xf32>
    %add3A_653 = arith.addf %add3A_651, %add3A_652 : vector<512x128xf32>
    %slice3A_654 = vector.extract_strided_slice %dot_general3A_465 {offsets = [0, 1664], sizes = [512, 128], strides = [1, 1]} : vector<512x2048xf32> to vector<512x128xf32>
    %add3A_655 = arith.addf %add3A_653, %slice3A_654 : vector<512x128xf32>
    %lt3A_656 = arith.cmpf olt, %add3A_655, %select_n3A_643 : vector<512x128xf32>
    %select_n3A_657 = arith.select %lt3A_656, %add3A_655, %select_n3A_643 : vector<512x128xi1>, vector<512x128xf32>
    %add3A_658 = arith.constant 5760 : i32
    %add3A_659 = vector.broadcast %add3A_658 : i32 to vector<512x128xi32>
    %add3A_660 = arith.addi %iota3A, %add3A_659 : vector<512x128xi32>
    %select_n3A_661 = arith.select %lt3A_656, %add3A_660, %select_n3A_647 : vector<512x128xi1>, vector<512x128xi32>
    %get3A_662 = arith.constant 0 : index
    %get3A_663 = arith.constant 5888 : index
    %get3A_664 = vector.load %arg3[%get3A_662, %get3A_663] : memref<1x8192xf32, #tpu.memory_space<vmem>>, vector<1x128xf32>
    %add3A_665 = vector.broadcast %get3A_4 : vector<512x1xf32> to vector<512x128xf32>
    %add3A_666 = vector.broadcast %get3A_664 : vector<1x128xf32> to vector<512x128xf32>
    %add3A_667 = arith.addf %add3A_665, %add3A_666 : vector<512x128xf32>
    %slice3A_668 = vector.extract_strided_slice %dot_general3A_465 {offsets = [0, 1792], sizes = [512, 128], strides = [1, 1]} : vector<512x2048xf32> to vector<512x128xf32>
    %add3A_669 = arith.addf %add3A_667, %slice3A_668 : vector<512x128xf32>
    %lt3A_670 = arith.cmpf olt, %add3A_669, %select_n3A_657 : vector<512x128xf32>
    %select_n3A_671 = arith.select %lt3A_670, %add3A_669, %select_n3A_657 : vector<512x128xi1>, vector<512x128xf32>
    %add3A_672 = arith.constant 5888 : i32
    %add3A_673 = vector.broadcast %add3A_672 : i32 to vector<512x128xi32>
    %add3A_674 = arith.addi %iota3A, %add3A_673 : vector<512x128xi32>
    %select_n3A_675 = arith.select %lt3A_670, %add3A_674, %select_n3A_661 : vector<512x128xi1>, vector<512x128xi32>
    %get3A_676 = arith.constant 0 : index
    %get3A_677 = arith.constant 6016 : index
    %get3A_678 = vector.load %arg3[%get3A_676, %get3A_677] : memref<1x8192xf32, #tpu.memory_space<vmem>>, vector<1x128xf32>
    %add3A_679 = vector.broadcast %get3A_4 : vector<512x1xf32> to vector<512x128xf32>
    %add3A_680 = vector.broadcast %get3A_678 : vector<1x128xf32> to vector<512x128xf32>
    %add3A_681 = arith.addf %add3A_679, %add3A_680 : vector<512x128xf32>
    %slice3A_682 = vector.extract_strided_slice %dot_general3A_465 {offsets = [0, 1920], sizes = [512, 128], strides = [1, 1]} : vector<512x2048xf32> to vector<512x128xf32>
    %add3A_683 = arith.addf %add3A_681, %slice3A_682 : vector<512x128xf32>
    %lt3A_684 = arith.cmpf olt, %add3A_683, %select_n3A_671 : vector<512x128xf32>
    %select_n3A_685 = arith.select %lt3A_684, %add3A_683, %select_n3A_671 : vector<512x128xi1>, vector<512x128xf32>
    %add3A_686 = arith.constant 6016 : i32
    %add3A_687 = vector.broadcast %add3A_686 : i32 to vector<512x128xi32>
    %add3A_688 = arith.addi %iota3A, %add3A_687 : vector<512x128xi32>
    %select_n3A_689 = arith.select %lt3A_684, %add3A_688, %select_n3A_675 : vector<512x128xi1>, vector<512x128xi32>
    %get3A_690 = arith.constant 6144 : index
    %get3A_691 = arith.constant 0 : index
    %get3A_692 = vector.load %arg4[%get3A_690, %get3A_691] : memref<8192x256xf32, #tpu.memory_space<vmem>>, vector<2048x256xf32>
    %dot_general3A_693 = arith.constant dense<0.000000e+00> : vector<512x2048xf32>
    %dot_general3A_694 = tpu.matmul %get3A_1, %get3A_692, %dot_general3A_693 {dimension_numbers = #tpu.dot_dimension_numbers<[1], [1], [0], [0], [0, 0, 1, 0], [], []>, transpose_lhs_hint = false} : vector<512x256xf32>, vector<2048x256xf32>, vector<512x2048xf32> -> vector<512x2048xf32>
    %get3A_695 = arith.constant 0 : index
    %get3A_696 = arith.constant 6144 : index
    %get3A_697 = vector.load %arg3[%get3A_695, %get3A_696] : memref<1x8192xf32, #tpu.memory_space<vmem>>, vector<1x128xf32>
    %add3A_698 = vector.broadcast %get3A_4 : vector<512x1xf32> to vector<512x128xf32>
    %add3A_699 = vector.broadcast %get3A_697 : vector<1x128xf32> to vector<512x128xf32>
    %add3A_700 = arith.addf %add3A_698, %add3A_699 : vector<512x128xf32>
    %slice3A_701 = vector.extract_strided_slice %dot_general3A_694 {offsets = [0, 0], sizes = [512, 128], strides = [1, 1]} : vector<512x2048xf32> to vector<512x128xf32>
    %add3A_702 = arith.addf %add3A_700, %slice3A_701 : vector<512x128xf32>
    %lt3A_703 = arith.cmpf olt, %add3A_702, %select_n3A_685 : vector<512x128xf32>
    %select_n3A_704 = arith.select %lt3A_703, %add3A_702, %select_n3A_685 : vector<512x128xi1>, vector<512x128xf32>
    %add3A_705 = arith.constant 6144 : i32
    %add3A_706 = vector.broadcast %add3A_705 : i32 to vector<512x128xi32>
    %add3A_707 = arith.addi %iota3A, %add3A_706 : vector<512x128xi32>
    %select_n3A_708 = arith.select %lt3A_703, %add3A_707, %select_n3A_689 : vector<512x128xi1>, vector<512x128xi32>
    %get3A_709 = arith.constant 0 : index
    %get3A_710 = arith.constant 6272 : index
    %get3A_711 = vector.load %arg3[%get3A_709, %get3A_710] : memref<1x8192xf32, #tpu.memory_space<vmem>>, vector<1x128xf32>
    %add3A_712 = vector.broadcast %get3A_4 : vector<512x1xf32> to vector<512x128xf32>
    %add3A_713 = vector.broadcast %get3A_711 : vector<1x128xf32> to vector<512x128xf32>
    %add3A_714 = arith.addf %add3A_712, %add3A_713 : vector<512x128xf32>
    %slice3A_715 = vector.extract_strided_slice %dot_general3A_694 {offsets = [0, 128], sizes = [512, 128], strides = [1, 1]} : vector<512x2048xf32> to vector<512x128xf32>
    %add3A_716 = arith.addf %add3A_714, %slice3A_715 : vector<512x128xf32>
    %lt3A_717 = arith.cmpf olt, %add3A_716, %select_n3A_704 : vector<512x128xf32>
    %select_n3A_718 = arith.select %lt3A_717, %add3A_716, %select_n3A_704 : vector<512x128xi1>, vector<512x128xf32>
    %add3A_719 = arith.constant 6272 : i32
    %add3A_720 = vector.broadcast %add3A_719 : i32 to vector<512x128xi32>
    %add3A_721 = arith.addi %iota3A, %add3A_720 : vector<512x128xi32>
    %select_n3A_722 = arith.select %lt3A_717, %add3A_721, %select_n3A_708 : vector<512x128xi1>, vector<512x128xi32>
    %get3A_723 = arith.constant 0 : index
    %get3A_724 = arith.constant 6400 : index
    %get3A_725 = vector.load %arg3[%get3A_723, %get3A_724] : memref<1x8192xf32, #tpu.memory_space<vmem>>, vector<1x128xf32>
    %add3A_726 = vector.broadcast %get3A_4 : vector<512x1xf32> to vector<512x128xf32>
    %add3A_727 = vector.broadcast %get3A_725 : vector<1x128xf32> to vector<512x128xf32>
    %add3A_728 = arith.addf %add3A_726, %add3A_727 : vector<512x128xf32>
    %slice3A_729 = vector.extract_strided_slice %dot_general3A_694 {offsets = [0, 256], sizes = [512, 128], strides = [1, 1]} : vector<512x2048xf32> to vector<512x128xf32>
    %add3A_730 = arith.addf %add3A_728, %slice3A_729 : vector<512x128xf32>
    %lt3A_731 = arith.cmpf olt, %add3A_730, %select_n3A_718 : vector<512x128xf32>
    %select_n3A_732 = arith.select %lt3A_731, %add3A_730, %select_n3A_718 : vector<512x128xi1>, vector<512x128xf32>
    %add3A_733 = arith.constant 6400 : i32
    %add3A_734 = vector.broadcast %add3A_733 : i32 to vector<512x128xi32>
    %add3A_735 = arith.addi %iota3A, %add3A_734 : vector<512x128xi32>
    %select_n3A_736 = arith.select %lt3A_731, %add3A_735, %select_n3A_722 : vector<512x128xi1>, vector<512x128xi32>
    %get3A_737 = arith.constant 0 : index
    %get3A_738 = arith.constant 6528 : index
    %get3A_739 = vector.load %arg3[%get3A_737, %get3A_738] : memref<1x8192xf32, #tpu.memory_space<vmem>>, vector<1x128xf32>
    %add3A_740 = vector.broadcast %get3A_4 : vector<512x1xf32> to vector<512x128xf32>
    %add3A_741 = vector.broadcast %get3A_739 : vector<1x128xf32> to vector<512x128xf32>
    %add3A_742 = arith.addf %add3A_740, %add3A_741 : vector<512x128xf32>
    %slice3A_743 = vector.extract_strided_slice %dot_general3A_694 {offsets = [0, 384], sizes = [512, 128], strides = [1, 1]} : vector<512x2048xf32> to vector<512x128xf32>
    %add3A_744 = arith.addf %add3A_742, %slice3A_743 : vector<512x128xf32>
    %lt3A_745 = arith.cmpf olt, %add3A_744, %select_n3A_732 : vector<512x128xf32>
    %select_n3A_746 = arith.select %lt3A_745, %add3A_744, %select_n3A_732 : vector<512x128xi1>, vector<512x128xf32>
    %add3A_747 = arith.constant 6528 : i32
    %add3A_748 = vector.broadcast %add3A_747 : i32 to vector<512x128xi32>
    %add3A_749 = arith.addi %iota3A, %add3A_748 : vector<512x128xi32>
    %select_n3A_750 = arith.select %lt3A_745, %add3A_749, %select_n3A_736 : vector<512x128xi1>, vector<512x128xi32>
    %get3A_751 = arith.constant 0 : index
    %get3A_752 = arith.constant 6656 : index
    %get3A_753 = vector.load %arg3[%get3A_751, %get3A_752] : memref<1x8192xf32, #tpu.memory_space<vmem>>, vector<1x128xf32>
    %add3A_754 = vector.broadcast %get3A_4 : vector<512x1xf32> to vector<512x128xf32>
    %add3A_755 = vector.broadcast %get3A_753 : vector<1x128xf32> to vector<512x128xf32>
    %add3A_756 = arith.addf %add3A_754, %add3A_755 : vector<512x128xf32>
    %slice3A_757 = vector.extract_strided_slice %dot_general3A_694 {offsets = [0, 512], sizes = [512, 128], strides = [1, 1]} : vector<512x2048xf32> to vector<512x128xf32>
    %add3A_758 = arith.addf %add3A_756, %slice3A_757 : vector<512x128xf32>
    %lt3A_759 = arith.cmpf olt, %add3A_758, %select_n3A_746 : vector<512x128xf32>
    %select_n3A_760 = arith.select %lt3A_759, %add3A_758, %select_n3A_746 : vector<512x128xi1>, vector<512x128xf32>
    %add3A_761 = arith.constant 6656 : i32
    %add3A_762 = vector.broadcast %add3A_761 : i32 to vector<512x128xi32>
    %add3A_763 = arith.addi %iota3A, %add3A_762 : vector<512x128xi32>
    %select_n3A_764 = arith.select %lt3A_759, %add3A_763, %select_n3A_750 : vector<512x128xi1>, vector<512x128xi32>
    %get3A_765 = arith.constant 0 : index
    %get3A_766 = arith.constant 6784 : index
    %get3A_767 = vector.load %arg3[%get3A_765, %get3A_766] : memref<1x8192xf32, #tpu.memory_space<vmem>>, vector<1x128xf32>
    %add3A_768 = vector.broadcast %get3A_4 : vector<512x1xf32> to vector<512x128xf32>
    %add3A_769 = vector.broadcast %get3A_767 : vector<1x128xf32> to vector<512x128xf32>
    %add3A_770 = arith.addf %add3A_768, %add3A_769 : vector<512x128xf32>
    %slice3A_771 = vector.extract_strided_slice %dot_general3A_694 {offsets = [0, 640], sizes = [512, 128], strides = [1, 1]} : vector<512x2048xf32> to vector<512x128xf32>
    %add3A_772 = arith.addf %add3A_770, %slice3A_771 : vector<512x128xf32>
    %lt3A_773 = arith.cmpf olt, %add3A_772, %select_n3A_760 : vector<512x128xf32>
    %select_n3A_774 = arith.select %lt3A_773, %add3A_772, %select_n3A_760 : vector<512x128xi1>, vector<512x128xf32>
    %add3A_775 = arith.constant 6784 : i32
    %add3A_776 = vector.broadcast %add3A_775 : i32 to vector<512x128xi32>
    %add3A_777 = arith.addi %iota3A, %add3A_776 : vector<512x128xi32>
    %select_n3A_778 = arith.select %lt3A_773, %add3A_777, %select_n3A_764 : vector<512x128xi1>, vector<512x128xi32>
    %get3A_779 = arith.constant 0 : index
    %get3A_780 = arith.constant 6912 : index
    %get3A_781 = vector.load %arg3[%get3A_779, %get3A_780] : memref<1x8192xf32, #tpu.memory_space<vmem>>, vector<1x128xf32>
    %add3A_782 = vector.broadcast %get3A_4 : vector<512x1xf32> to vector<512x128xf32>
    %add3A_783 = vector.broadcast %get3A_781 : vector<1x128xf32> to vector<512x128xf32>
    %add3A_784 = arith.addf %add3A_782, %add3A_783 : vector<512x128xf32>
    %slice3A_785 = vector.extract_strided_slice %dot_general3A_694 {offsets = [0, 768], sizes = [512, 128], strides = [1, 1]} : vector<512x2048xf32> to vector<512x128xf32>
    %add3A_786 = arith.addf %add3A_784, %slice3A_785 : vector<512x128xf32>
    %lt3A_787 = arith.cmpf olt, %add3A_786, %select_n3A_774 : vector<512x128xf32>
    %select_n3A_788 = arith.select %lt3A_787, %add3A_786, %select_n3A_774 : vector<512x128xi1>, vector<512x128xf32>
    %add3A_789 = arith.constant 6912 : i32
    %add3A_790 = vector.broadcast %add3A_789 : i32 to vector<512x128xi32>
    %add3A_791 = arith.addi %iota3A, %add3A_790 : vector<512x128xi32>
    %select_n3A_792 = arith.select %lt3A_787, %add3A_791, %select_n3A_778 : vector<512x128xi1>, vector<512x128xi32>
    %get3A_793 = arith.constant 0 : index
    %get3A_794 = arith.constant 7040 : index
    %get3A_795 = vector.load %arg3[%get3A_793, %get3A_794] : memref<1x8192xf32, #tpu.memory_space<vmem>>, vector<1x128xf32>
    %add3A_796 = vector.broadcast %get3A_4 : vector<512x1xf32> to vector<512x128xf32>
    %add3A_797 = vector.broadcast %get3A_795 : vector<1x128xf32> to vector<512x128xf32>
    %add3A_798 = arith.addf %add3A_796, %add3A_797 : vector<512x128xf32>
    %slice3A_799 = vector.extract_strided_slice %dot_general3A_694 {offsets = [0, 896], sizes = [512, 128], strides = [1, 1]} : vector<512x2048xf32> to vector<512x128xf32>
    %add3A_800 = arith.addf %add3A_798, %slice3A_799 : vector<512x128xf32>
    %lt3A_801 = arith.cmpf olt, %add3A_800, %select_n3A_788 : vector<512x128xf32>
    %select_n3A_802 = arith.select %lt3A_801, %add3A_800, %select_n3A_788 : vector<512x128xi1>, vector<512x128xf32>
    %add3A_803 = arith.constant 7040 : i32
    %add3A_804 = vector.broadcast %add3A_803 : i32 to vector<512x128xi32>
    %add3A_805 = arith.addi %iota3A, %add3A_804 : vector<512x128xi32>
    %select_n3A_806 = arith.select %lt3A_801, %add3A_805, %select_n3A_792 : vector<512x128xi1>, vector<512x128xi32>
    %get3A_807 = arith.constant 0 : index
    %get3A_808 = arith.constant 7168 : index
    %get3A_809 = vector.load %arg3[%get3A_807, %get3A_808] : memref<1x8192xf32, #tpu.memory_space<vmem>>, vector<1x128xf32>
    %add3A_810 = vector.broadcast %get3A_4 : vector<512x1xf32> to vector<512x128xf32>
    %add3A_811 = vector.broadcast %get3A_809 : vector<1x128xf32> to vector<512x128xf32>
    %add3A_812 = arith.addf %add3A_810, %add3A_811 : vector<512x128xf32>
    %slice3A_813 = vector.extract_strided_slice %dot_general3A_694 {offsets = [0, 1024], sizes = [512, 128], strides = [1, 1]} : vector<512x2048xf32> to vector<512x128xf32>
    %add3A_814 = arith.addf %add3A_812, %slice3A_813 : vector<512x128xf32>
    %lt3A_815 = arith.cmpf olt, %add3A_814, %select_n3A_802 : vector<512x128xf32>
    %select_n3A_816 = arith.select %lt3A_815, %add3A_814, %select_n3A_802 : vector<512x128xi1>, vector<512x128xf32>
    %add3A_817 = arith.constant 7168 : i32
    %add3A_818 = vector.broadcast %add3A_817 : i32 to vector<512x128xi32>
    %add3A_819 = arith.addi %iota3A, %add3A_818 : vector<512x128xi32>
    %select_n3A_820 = arith.select %lt3A_815, %add3A_819, %select_n3A_806 : vector<512x128xi1>, vector<512x128xi32>
    %get3A_821 = arith.constant 0 : index
    %get3A_822 = arith.constant 7296 : index
    %get3A_823 = vector.load %arg3[%get3A_821, %get3A_822] : memref<1x8192xf32, #tpu.memory_space<vmem>>, vector<1x128xf32>
    %add3A_824 = vector.broadcast %get3A_4 : vector<512x1xf32> to vector<512x128xf32>
    %add3A_825 = vector.broadcast %get3A_823 : vector<1x128xf32> to vector<512x128xf32>
    %add3A_826 = arith.addf %add3A_824, %add3A_825 : vector<512x128xf32>
    %slice3A_827 = vector.extract_strided_slice %dot_general3A_694 {offsets = [0, 1152], sizes = [512, 128], strides = [1, 1]} : vector<512x2048xf32> to vector<512x128xf32>
    %add3A_828 = arith.addf %add3A_826, %slice3A_827 : vector<512x128xf32>
    %lt3A_829 = arith.cmpf olt, %add3A_828, %select_n3A_816 : vector<512x128xf32>
    %select_n3A_830 = arith.select %lt3A_829, %add3A_828, %select_n3A_816 : vector<512x128xi1>, vector<512x128xf32>
    %add3A_831 = arith.constant 7296 : i32
    %add3A_832 = vector.broadcast %add3A_831 : i32 to vector<512x128xi32>
    %add3A_833 = arith.addi %iota3A, %add3A_832 : vector<512x128xi32>
    %select_n3A_834 = arith.select %lt3A_829, %add3A_833, %select_n3A_820 : vector<512x128xi1>, vector<512x128xi32>
    %get3A_835 = arith.constant 0 : index
    %get3A_836 = arith.constant 7424 : index
    %get3A_837 = vector.load %arg3[%get3A_835, %get3A_836] : memref<1x8192xf32, #tpu.memory_space<vmem>>, vector<1x128xf32>
    %add3A_838 = vector.broadcast %get3A_4 : vector<512x1xf32> to vector<512x128xf32>
    %add3A_839 = vector.broadcast %get3A_837 : vector<1x128xf32> to vector<512x128xf32>
    %add3A_840 = arith.addf %add3A_838, %add3A_839 : vector<512x128xf32>
    %slice3A_841 = vector.extract_strided_slice %dot_general3A_694 {offsets = [0, 1280], sizes = [512, 128], strides = [1, 1]} : vector<512x2048xf32> to vector<512x128xf32>
    %add3A_842 = arith.addf %add3A_840, %slice3A_841 : vector<512x128xf32>
    %lt3A_843 = arith.cmpf olt, %add3A_842, %select_n3A_830 : vector<512x128xf32>
    %select_n3A_844 = arith.select %lt3A_843, %add3A_842, %select_n3A_830 : vector<512x128xi1>, vector<512x128xf32>
    %add3A_845 = arith.constant 7424 : i32
    %add3A_846 = vector.broadcast %add3A_845 : i32 to vector<512x128xi32>
    %add3A_847 = arith.addi %iota3A, %add3A_846 : vector<512x128xi32>
    %select_n3A_848 = arith.select %lt3A_843, %add3A_847, %select_n3A_834 : vector<512x128xi1>, vector<512x128xi32>
    %get3A_849 = arith.constant 0 : index
    %get3A_850 = arith.constant 7552 : index
    %get3A_851 = vector.load %arg3[%get3A_849, %get3A_850] : memref<1x8192xf32, #tpu.memory_space<vmem>>, vector<1x128xf32>
    %add3A_852 = vector.broadcast %get3A_4 : vector<512x1xf32> to vector<512x128xf32>
    %add3A_853 = vector.broadcast %get3A_851 : vector<1x128xf32> to vector<512x128xf32>
    %add3A_854 = arith.addf %add3A_852, %add3A_853 : vector<512x128xf32>
    %slice3A_855 = vector.extract_strided_slice %dot_general3A_694 {offsets = [0, 1408], sizes = [512, 128], strides = [1, 1]} : vector<512x2048xf32> to vector<512x128xf32>
    %add3A_856 = arith.addf %add3A_854, %slice3A_855 : vector<512x128xf32>
    %lt3A_857 = arith.cmpf olt, %add3A_856, %select_n3A_844 : vector<512x128xf32>
    %select_n3A_858 = arith.select %lt3A_857, %add3A_856, %select_n3A_844 : vector<512x128xi1>, vector<512x128xf32>
    %add3A_859 = arith.constant 7552 : i32
    %add3A_860 = vector.broadcast %add3A_859 : i32 to vector<512x128xi32>
    %add3A_861 = arith.addi %iota3A, %add3A_860 : vector<512x128xi32>
    %select_n3A_862 = arith.select %lt3A_857, %add3A_861, %select_n3A_848 : vector<512x128xi1>, vector<512x128xi32>
    %get3A_863 = arith.constant 0 : index
    %get3A_864 = arith.constant 7680 : index
    %get3A_865 = vector.load %arg3[%get3A_863, %get3A_864] : memref<1x8192xf32, #tpu.memory_space<vmem>>, vector<1x128xf32>
    %add3A_866 = vector.broadcast %get3A_4 : vector<512x1xf32> to vector<512x128xf32>
    %add3A_867 = vector.broadcast %get3A_865 : vector<1x128xf32> to vector<512x128xf32>
    %add3A_868 = arith.addf %add3A_866, %add3A_867 : vector<512x128xf32>
    %slice3A_869 = vector.extract_strided_slice %dot_general3A_694 {offsets = [0, 1536], sizes = [512, 128], strides = [1, 1]} : vector<512x2048xf32> to vector<512x128xf32>
    %add3A_870 = arith.addf %add3A_868, %slice3A_869 : vector<512x128xf32>
    %lt3A_871 = arith.cmpf olt, %add3A_870, %select_n3A_858 : vector<512x128xf32>
    %select_n3A_872 = arith.select %lt3A_871, %add3A_870, %select_n3A_858 : vector<512x128xi1>, vector<512x128xf32>
    %add3A_873 = arith.constant 7680 : i32
    %add3A_874 = vector.broadcast %add3A_873 : i32 to vector<512x128xi32>
    %add3A_875 = arith.addi %iota3A, %add3A_874 : vector<512x128xi32>
    %select_n3A_876 = arith.select %lt3A_871, %add3A_875, %select_n3A_862 : vector<512x128xi1>, vector<512x128xi32>
    %get3A_877 = arith.constant 0 : index
    %get3A_878 = arith.constant 7808 : index
    %get3A_879 = vector.load %arg3[%get3A_877, %get3A_878] : memref<1x8192xf32, #tpu.memory_space<vmem>>, vector<1x128xf32>
    %add3A_880 = vector.broadcast %get3A_4 : vector<512x1xf32> to vector<512x128xf32>
    %add3A_881 = vector.broadcast %get3A_879 : vector<1x128xf32> to vector<512x128xf32>
    %add3A_882 = arith.addf %add3A_880, %add3A_881 : vector<512x128xf32>
    %slice3A_883 = vector.extract_strided_slice %dot_general3A_694 {offsets = [0, 1664], sizes = [512, 128], strides = [1, 1]} : vector<512x2048xf32> to vector<512x128xf32>
    %add3A_884 = arith.addf %add3A_882, %slice3A_883 : vector<512x128xf32>
    %lt3A_885 = arith.cmpf olt, %add3A_884, %select_n3A_872 : vector<512x128xf32>
    %select_n3A_886 = arith.select %lt3A_885, %add3A_884, %select_n3A_872 : vector<512x128xi1>, vector<512x128xf32>
    %add3A_887 = arith.constant 7808 : i32
    %add3A_888 = vector.broadcast %add3A_887 : i32 to vector<512x128xi32>
    %add3A_889 = arith.addi %iota3A, %add3A_888 : vector<512x128xi32>
    %select_n3A_890 = arith.select %lt3A_885, %add3A_889, %select_n3A_876 : vector<512x128xi1>, vector<512x128xi32>
    %get3A_891 = arith.constant 0 : index
    %get3A_892 = arith.constant 7936 : index
    %get3A_893 = vector.load %arg3[%get3A_891, %get3A_892] : memref<1x8192xf32, #tpu.memory_space<vmem>>, vector<1x128xf32>
    %add3A_894 = vector.broadcast %get3A_4 : vector<512x1xf32> to vector<512x128xf32>
    %add3A_895 = vector.broadcast %get3A_893 : vector<1x128xf32> to vector<512x128xf32>
    %add3A_896 = arith.addf %add3A_894, %add3A_895 : vector<512x128xf32>
    %slice3A_897 = vector.extract_strided_slice %dot_general3A_694 {offsets = [0, 1792], sizes = [512, 128], strides = [1, 1]} : vector<512x2048xf32> to vector<512x128xf32>
    %add3A_898 = arith.addf %add3A_896, %slice3A_897 : vector<512x128xf32>
    %lt3A_899 = arith.cmpf olt, %add3A_898, %select_n3A_886 : vector<512x128xf32>
    %select_n3A_900 = arith.select %lt3A_899, %add3A_898, %select_n3A_886 : vector<512x128xi1>, vector<512x128xf32>
    %add3A_901 = arith.constant 7936 : i32
    %add3A_902 = vector.broadcast %add3A_901 : i32 to vector<512x128xi32>
    %add3A_903 = arith.addi %iota3A, %add3A_902 : vector<512x128xi32>
    %select_n3A_904 = arith.select %lt3A_899, %add3A_903, %select_n3A_890 : vector<512x128xi1>, vector<512x128xi32>
    %get3A_905 = arith.constant 0 : index
    %get3A_906 = arith.constant 8064 : index
    %get3A_907 = vector.load %arg3[%get3A_905, %get3A_906] : memref<1x8192xf32, #tpu.memory_space<vmem>>, vector<1x128xf32>
    %add3A_908 = vector.broadcast %get3A_4 : vector<512x1xf32> to vector<512x128xf32>
    %add3A_909 = vector.broadcast %get3A_907 : vector<1x128xf32> to vector<512x128xf32>
    %add3A_910 = arith.addf %add3A_908, %add3A_909 : vector<512x128xf32>
    %slice3A_911 = vector.extract_strided_slice %dot_general3A_694 {offsets = [0, 1920], sizes = [512, 128], strides = [1, 1]} : vector<512x2048xf32> to vector<512x128xf32>
    %add3A_912 = arith.addf %add3A_910, %slice3A_911 : vector<512x128xf32>
    %lt3A_913 = arith.cmpf olt, %add3A_912, %select_n3A_900 : vector<512x128xf32>
    %select_n3A_914 = arith.select %lt3A_913, %add3A_912, %select_n3A_900 : vector<512x128xi1>, vector<512x128xf32>
    %add3A_915 = arith.constant 8064 : i32
    %add3A_916 = vector.broadcast %add3A_915 : i32 to vector<512x128xi32>
    %add3A_917 = arith.addi %iota3A, %add3A_916 : vector<512x128xi32>
    %select_n3A_918 = arith.select %lt3A_913, %add3A_917, %select_n3A_904 : vector<512x128xi1>, vector<512x128xi32>
    %reduce_min3A = arith.constant dense<0x7F800000> : vector<512xf32>
    %reduce_min3A_919 = vector.multi_reduction <minimumf>, %select_n3A_914, %reduce_min3A [1] : vector<512x128xf32> to vector<512xf32>
    %broadcast_in_dim3A_920 = vector.shape_cast %reduce_min3A_919 : vector<512xf32> to vector<512x1xf32>
    %eq3A = vector.broadcast %broadcast_in_dim3A_920 : vector<512x1xf32> to vector<512x128xf32>
    %eq3A_921 = arith.cmpf oeq, %select_n3A_914, %eq3A : vector<512x128xf32>
    %jit3A = arith.constant 8192 : i32
    %broadcast_in_dim3A_922 = vector.broadcast %jit3A : i32 to vector<512x128xi32>
    %select_n3A_923 = arith.select %eq3A_921, %select_n3A_918, %broadcast_in_dim3A_922 : vector<512x128xi1>, vector<512x128xi32>
    %reduce_min3A_924 = arith.constant dense<2147483647> : vector<512xi32>
    %reduce_min3A_925 = vector.multi_reduction <minsi>, %select_n3A_923, %reduce_min3A_924 [1] : vector<512x128xi32> to vector<512xi32>
    %broadcast_in_dim3A_926 = vector.shape_cast %reduce_min3A_925 : vector<512xi32> to vector<512x1xi32>
    %swap3A = arith.constant 0 : index
    %swap3A_927 = arith.constant 0 : index
    %swap3A_928 = vector.load %arg5[%swap3A, %swap3A_927] : memref<512x1xi32, #tpu.memory_space<vmem>>, vector<512x1xi32>
    tpu.vector_store %arg5[%swap3A, %swap3A_927], %broadcast_in_dim3A_926 {strides = array<i32>} : memref<512x1xi32, #tpu.memory_space<vmem>>, vector<512x1xi32>,
    %eq3A_929 = arith.constant 0 : i32
    %eq3A_930 = arith.cmpi eq, %arg0, %eq3A_929 : i32
    %convert_element_type3A = arith.extui %eq3A_930 : i1 to i32
    %cond3A = arith.constant 0 : i32
    %cond3A_931 = arith.cmpi ne, %convert_element_type3A, %cond3A : i32
    scf.if %cond3A_931 {
      %swap3A_948 = arith.constant 0.000000e+00 : f32
      %swap3A_949 = arith.constant 0 : index
      %swap3A_950 = arith.constant 0 : index
      %swap3A_951 = memref.load %arg7[%swap3A_949, %swap3A_950] : memref<1x1xf32, #tpu.memory_space<smem>>
      memref.store %swap3A_948, %arg7[%swap3A_949, %swap3A_950] : memref<1x1xf32, #tpu.memory_space<smem>>
    } else {
    }
    %get3A_932 = arith.constant 0 : index
    %get3A_933 = arith.constant 0 : index
    %get3A_934 = memref.load %arg7[%get3A_932, %get3A_933] : memref<1x1xf32, #tpu.memory_space<smem>>
    %reduce_sum3A = vector.shape_cast %broadcast_in_dim3A_920 : vector<512x1xf32> to vector<1x512x1xf32>
    %reduce_sum3A_935 = arith.constant dense<0.000000e+00> : vector<1xf32>
    %reduce_sum3A_936 = vector.multi_reduction <add>, %reduce_sum3A, %reduce_sum3A_935 [1, 2] : vector<1x512x1xf32> to vector<1xf32>
    %reduce_sum3A_937 = vector.shape_cast %reduce_sum3A_936 : vector<1xf32> to vector<1x1x1xf32>
    %reduce_sum3A_938 = vector.extract %reduce_sum3A_937[0, 0, 0] : f32 from vector<1x1x1xf32>
    %add3A_939 = arith.addf %get3A_934, %reduce_sum3A_938 : f32
    %swap3A_940 = arith.constant 0 : index
    %swap3A_941 = arith.constant 0 : index
    %swap3A_942 = memref.load %arg7[%swap3A_940, %swap3A_941] : memref<1x1xf32, #tpu.memory_space<smem>>
    memref.store %add3A_939, %arg7[%swap3A_940, %swap3A_941] : memref<1x1xf32, #tpu.memory_space<smem>>
    %eq3A_943 = arith.constant 15 : i32
    %eq3A_944 = arith.cmpi eq, %arg0, %eq3A_943 : i32
    %convert_element_type3A_945 = arith.extui %eq3A_944 : i1 to i32
    %cond3A_946 = arith.constant 0 : i32
    %cond3A_947 = arith.cmpi ne, %convert_element_type3A_945, %cond3A_946 : i32
    scf.if %cond3A_947 {
      %get3A_948 = arith.constant 0 : index
      %get3A_949 = arith.constant 0 : index
      %get3A_950 = memref.load %arg7[%get3A_948, %get3A_949] : memref<1x1xf32, #tpu.memory_space<smem>>
      %mul3A = arith.constant 1.250000e+00 : f32
      %mul3A_951 = arith.mulf %mul3A, %get3A_950 : f32
      %div3A = arith.constant 0x4A000000 : f32
      %div3A_952 = arith.divf %mul3A_951, %div3A : f32
      %swap3A_953 = arith.constant 0 : index
      %swap3A_954 = arith.constant 0 : index
      %swap3A_955 = memref.load %arg6[%swap3A_953, %swap3A_954] : memref<1x1xf32, #tpu.memory_space<smem>>
      memref.store %div3A_952, %arg6[%swap3A_953, %swap3A_954] : memref<1x1xf32, #tpu.memory_space<smem>>
    } else {
    }
    return
  }
  func.func @transform_0(%arg0: i32) -> (i32, i32) {
    %c0_i32 = arith.constant 0 : i32
    %c0_i32_0 = arith.constant 0 : i32
    return %arg0, %c0_i32 : i32, i32
  }
  func.func @transform_1(%arg0: i32) -> (i32, i32) {
    %c0_i32 = arith.constant 0 : i32
    %c0_i32_0 = arith.constant 0 : i32
    return %arg0, %c0_i32 : i32, i32
  }
  func.func @transform_2(%arg0: i32) -> (i32, i32) {
    %c0_i32 = arith.constant 0 : i32
    %c0_i32_0 = arith.constant 0 : i32
    %c0_i32_1 = arith.constant 0 : i32
    return %c0_i32, %c0_i32_0 : i32, i32
  }
  func.func @transform_3(%arg0: i32) -> (i32, i32) {
    %c0_i32 = arith.constant 0 : i32
    %c0_i32_0 = arith.constant 0 : i32
    %c0_i32_1 = arith.constant 0 : i32
    return %c0_i32, %c0_i32_0 : i32, i32
  }
  func.func @transform_4(%arg0: i32) -> (i32, i32) {
    %c0_i32 = arith.constant 0 : i32
    %c0_i32_0 = arith.constant 0 : i32
    return %arg0, %c0_i32 : i32, i32
  }
  func.func @transform_5(%arg0: i32) -> (i32, i32) {
    %c0_i32 = arith.constant 0 : i32
    %c0_i32_0 = arith.constant 0 : i32
    %c0_i32_1 = arith.constant 0 : i32
    return %c0_i32, %c0_i32_0 : i32, i32
  }
}

</mosaic_0001>

<sc_bundles>
// kernel: kernel.4.cloned.1.call-start
scs
__scs_entry_jumppad:
0x0: {  	(pc) =	sbr.rel $0x88, $3  }
0x1: {  	(tag) =	ssettag $0x0;
	lr =	simm.s32 $0x1  }
0x2: {  	[smem:$0x3F9F] =	sst lr;
	_ =	strace $0xD0000000  }
0x3: {  	_ = 	snop  }
0x4: {  	_ = 	snop  }
0x5: {  	_ = 	snop  }
0x6: {  	_ = 	snop  }
0x7: {  	_ = 	snop  }
__scs_overlays_trampoline_lowered:
0x8: {  	[smem:$0x3FAE] =	sst s0  }
0x9: {  	[smem:$0x3FAF] =	sst s1  }
0xa: {  	[smem:$0x3FB0] =	sst s2  }
0xb: {  	[smem:$0x3FB1] =	sst s3  }
0xc: {  	[smem:$0x3FB2] =	sst s4  }
0xd: {  	[smem:$0x3FB3] =	sst s5  }
0xe: {  	[smem:$0x3FB4] =	sst s6  }
0xf: {  	[smem:$0x3FB5] =	sst s7  }
0x10: {  	[smem:$0x3FB6] =	sst s8  }
0x11: {  	[smem:$0x3FB7] =	sst s9;
	s0 =	simm.s32 @!p0 $0x0  }
0x12: {  	s1 =	sld [smem:$0x3F9D];
	s0 =	simm.s32 @p0 $0x1  }
0x13: {  	[smem:$0x3FB8] =	sst s0;
	s0 =	simm.s32 @!p1 $0x0  }
0x14: {  	s2 =	sld [smem:$0x3F9C];
	s0 =	simm.s32 @p1 $0x1  }
0x15: {  	[smem:$0x3FB9] =	sst s0;
	s0 =	simm.s32 @!p2 $0x0  }
0x16: {  	s3 =	sld [smem:$0x3FDB];
	s0 =	simm.s32 @p2 $0x1  }
0x17: {  	s4 =	simm.s32 $0x1BF5;
	[smem:$0x3FBB] =	sst s0  }
0x18: {  	s0 =	sld [smem:$0x3F9E];
	_ =	swait.ge [sflag:s4], $0x0  }
0x19: {  	s7 =	sld [smem:$0x3F9F]  }
0x1a: {  	s8 =	sadd.s32 $0xFFFFE003, lr  }
0x1b: {  	s9 =	sadd.s32 $0xFFFFFEF7, lr;
	s5 =	simm.s32 $0xFFFFFFFF;
	p2 =	slt.u32 s8, $0xFFFFF086  }
0x1c: {  	p1 =	slt.u32 s9, $0xF7A;
	s5 =	simm.s32 @!p2 $0x0  }
0x1d: {  	s5 =	simm.s32 @p1 $0x1;
	p0 =	seq.s32 s7, s2  }
0x1e: {  	s7 =	smul.u32 @!p0 $0xF7A, s2;
	p2 =	seq.s32 @!p0 s5, $0x0  }
0x1f: {  	s9 =	smul.u32 $0xF7A, s1;
	s8 =	simm.s32 @!p0 $0x1BF5;
	p2 =	por !p2, p0  }
0x20: {  	[sflag:s8] =	ssyncset.s32 @!p0 $0xFFFFF086;
	s6 =	sadd.s32 @!p0 s3, s7;
	s7 =	simm.s32 @!p0 $0x108  }
0x21: {  	s3 =	sadd.s32 s3, s9;
	s6 =	sadd.s32 @!p0 $0x88, s6;
	s7 =	simm.s32 @p2 $0x1082  }
0x22: {  	[simem:s7], [sflag:s8] =	dma.local @!p0 [hbm:s6], $0xF7A  }
0x23: {  	s9 =	sor.u32 $0xD0000000, s2;
	s6 =	simm.s32 $0x108;
	_ =	swait.ge @!p0 [sflag:s8], $0x0  }
0x24: {  	s3 =	sadd.s32 $0x88, s3;
	s6 =	simm.s32 @!p1 $0x1082;
	[sflag:s4] =	ssyncset.s32 $0xFFFFF086  }
0x25: {  	[simem:s6], [sflag:s4] =	dma.local [hbm:s3], $0xF7A  }
0x26: {  	[smem:$0x3F9F] =	sst s1;
	(tag) =	ssettag s2;
	_ =	strace s9  }
0x27: {  	s1 =	sld [smem:$0x3FAF]  }
0x28: {  	s2 =	sld [smem:$0x3FB0]  }
0x29: {  	s4 =	sld [smem:$0x3FB2]  }
0x2a: {  	p0 =	seq.s32 s5, $0x0;
	s5 =	sld [smem:$0x3FB3]  }
0x2b: {  	s6 =	sld [smem:$0x3FB4]  }
0x2c: {  	s7 =	sld [smem:$0x3FB5]  }
0x2d: {  	s3 =	simm.s32 $0x108;
	s8 =	sld [smem:$0x3FB6]  }
0x2e: {  	s3 =	simm.s32 @!p0 $0x1082;
	s9 =	sld [smem:$0x3FB7]  }
0x2f: {  	lr =	sadd.s32 s0, s3;
	s0 =	sld [smem:$0x3FAE]  }
0x30: {  	s3 =	sld [smem:$0x3FB1]  }
0x31: {  	[smem:$0x3FBA] =	sst s10  }
0x32: {  	s10 =	sld [smem:$0x3FB8];
	_ =	sdelay $0x3  }
0x33: {  	p0 =	seq.s32 s10, $0x1;
	s10 =	sld [smem:$0x3FBA];
	_ =	sdelay $0x3  }
0x34: {  	[smem:$0x3FBA] =	sst s10  }
0x35: {  	s10 =	sld [smem:$0x3FB9];
	_ =	sdelay $0x3  }
0x36: {  	p1 =	seq.s32 s10, $0x1;
	s10 =	sld [smem:$0x3FBA];
	_ =	sdelay $0x3  }
0x37: {  	[smem:$0x3FBA] =	sst s10  }
0x38: {  	s10 =	sld [smem:$0x3FBB]  }
0x39: {  	_ = 	snop;
	(pc) =	sbr.ind lr, $3  }
0x3a: {  	_ = 	snop  }
0x3b: {  	_ = 	snop  }
0x3c: {  	p2 =	seq.s32 s10, $0x1;
	s10 =	sld [smem:$0x3FBA]  }
0x3d: {  	_ =	shalt  }
0x3e: {  	_ =	shalt  }
0x3f: {  	_ =	shalt  }
0x40: {  	_ =	shalt  }
0x41: {  	_ =	shalt  }
0x42: {  	_ =	shalt  }
0x43: {  	_ =	shalt  }
0x44: {  	_ =	shalt  }
0x45: {  	_ =	shalt  }
0x46: {  	_ =	shalt  }
0x47: {  	_ =	shalt  }
0x48: {  	_ =	shalt  }
0x49: {  	_ =	shalt  }
0x4a: {  	_ =	shalt  }
0x4b: {  	_ =	shalt  }
0x4c: {  	_ =	shalt  }
0x4d: {  	_ =	shalt  }
0x4e: {  	_ =	shalt  }
0x4f: {  	_ =	shalt  }
0x50: {  	_ =	shalt  }
0x51: {  	_ =	shalt  }
0x52: {  	_ =	shalt  }
0x53: {  	_ =	shalt  }
0x54: {  	_ =	shalt  }
0x55: {  	_ =	shalt  }
0x56: {  	_ =	shalt  }
0x57: {  	_ =	shalt  }
0x58: {  	_ =	shalt  }
0x59: {  	_ =	shalt  }
0x5a: {  	_ =	shalt  }
0x5b: {  	_ =	shalt  }
0x5c: {  	_ =	shalt  }
0x5d: {  	_ =	shalt  }
0x5e: {  	_ =	shalt  }
0x5f: {  	_ =	shalt  }
0x60: {  	_ =	shalt  }
0x61: {  	_ =	shalt  }
0x62: {  	_ =	shalt  }
0x63: {  	_ =	shalt  }
0x64: {  	_ =	shalt  }
0x65: {  	_ =	shalt  }
0x66: {  	_ =	shalt  }
0x67: {  	_ =	shalt  }
0x68: {  	_ =	shalt  }
0x69: {  	_ =	shalt  }
0x6a: {  	_ =	shalt  }
0x6b: {  	_ =	shalt  }
0x6c: {  	_ =	shalt  }
0x6d: {  	_ =	shalt  }
0x6e: {  	_ =	shalt  }
0x6f: {  	_ =	shalt  }
0x70: {  	_ =	shalt  }
0x71: {  	_ =	shalt  }
0x72: {  	_ =	shalt  }
0x73: {  	_ =	shalt  }
0x74: {  	_ =	shalt  }
0x75: {  	_ =	shalt  }
0x76: {  	_ =	shalt  }
0x77: {  	_ =	shalt  }
0x78: {  	_ =	shalt  }
0x79: {  	_ =	shalt  }
0x7a: {  	_ =	shalt  }
0x7b: {  	_ =	shalt  }
0x7c: {  	_ =	shalt  }
0x7d: {  	_ =	shalt  }
0x7e: {  	_ =	shalt  }
0x7f: {  	_ =	shalt  }
0x80: {  	_ =	shalt  }
0x81: {  	_ =	shalt  }
0x82: {  	_ =	shalt  }
0x83: {  	_ =	shalt  }
0x84: {  	_ =	shalt  }
0x85: {  	_ =	shalt  }
0x86: {  	_ =	shalt  }
0x87: {  	_ =	shalt  }
.Lfunc_end0:
.L_simem_size_0:
called_computation_lowered:
.L_overlay_start_0:
0x88: {  	s2 =	sld [smem:$0x3FD9]  }
0x89: {  	s3 =	sld [smem:$0x3FFE];
	_ =	sdelay $0x1  }
0x8a: {  	s1 =	srdreg.scid  }
0x8b: {  	s0 =	sand.u32 $0x1, s1  }
0x8c: {  	s14 =	sshll.u32 s0, $0xA;
	s2 =	sadd.s32 s3, s2  }
0x8d: {  	s2 =	sadd.s32 s2, s14  }
0x8e: {  	[smem:$0x3FC6] =	sst s2  }
0x8f: {  	_ = 	snop  }
0x90: {  	s2 =	sld [smem:$0x3FD0];
	_ =	sdelay $0x2  }
0x91: {  	s4 =	simm.s32 $0xA;
	s5 =	simm.s32 $0x10;
	s15 =	sld [smem:$0x3FC8]  }
0x92: {  	[smem:s5], [sflag:s4] =	dma.local [hbm:s2], $0x1  }
0x93: {  	_ =	swait.eq [sflag:s4], $0x1  }
0x94: {  	[sflag:s4] =	ssyncset.done $0x0  }
0x95: {  	[sflag:s4] =	ssyncadd.s32 $0xFFFFFFFF  }
0x96: {  	s16 =	sld [smem:$0x10];
	(tm) =	ssettm $0x1  }
0x97: {  	s17 =	sld [smem:$0x3FFB];
	_ =	sdelay $0x3  }
0x98: {  	_ =	strace s17  }
0x99: {  	s4 =	sld [smem:$0x3FFC];
	_ =	sdelay $0x3  }
0x9a: {  	_ =	strace s4  }
0x9b: {  	s4 =	sld [smem:$0x3FFD];
	_ =	sdelay $0x3  }
0x9c: {  	_ =	strace s4  }
0x9d: {  	_ =	strace $0x8FFFFFFF  }
0x9e: {  	s18 =	sld [smem:$0x3FDB];
	_ =	sdelay $0x1  }
0x9f: {  	s19 =	simm.s32 $_scs_section_size  }
0xa0: {  	s6 =	simm.s32 $_size__tile_overlayer_lowered;
	s7 =	simm.s32 $_tile_overlayer_lowered  }
0xa1: {  	s22 =	simm.s32 $0x1BFF;
	s21 =	sshll.u32 s7, $0x1;
	s4 =	sadd.s32 s19, s18  }
0xa2: {  	s8 =	simm.s32 $0x0;
	s20 =	sshll.u32 s6, $0x1;
	s6 =	sadd.s32 s21, s4  }
0xa3: {  	[timem:s8], [sflag:s22] =	dma.local [hbm:s6], s20  }
0xa4: {  	_ =	swait.ge [sflag:s22], s20  }
0xa5: {  	s5 =	ssub.s32 $0x0, s20;
	[sflag:s22] =	ssyncset.done $0x0  }
0xa6: {  	[sflag:s22] =	ssyncadd.s32 s5;
	_ =	sdelay $0x1  }
0xa7: {  	s23 =	simm.s32 $0x1B8B  }
0xa8: {  	_ =	swait.ge [sflag:s23], $0x1  }
0xa9: {  	[sflag:s23] =	ssyncset.done $0x0  }
0xaa: {  	s25 =	simm.s32 $0x1B8E;
	s24 =	sld [smem:$0x3FFE];
	[sflag:s23] =	ssyncadd.s32 $0xFFFFFFFF  }
0xab: {  	s26 =	simm.s32 $execute0_lowered;
	[smem:$0x3FD2] =	sst s25  }
0xac: {  	s6 =	sshll.u32 s26, $0x1;
	_ =	strace $0x80000046;
	[dreg:$0x1] =	wrdreg $0xFFFFFFFF  }
0xad: {  	s28 =	simm.s32 $_size_execute0_lowered;
	s4 =	sadd.s32 s4, s6;
	[dreg:$0x0] =	wrdreg $0x0  }
0xae: {  	s6 =	sshll.u32 s28, $0x1;
	[dreg:$0x2] =	wrdreg s4  }
0xaf: {  	[dreg:$0x3] =	wrdreg s6  }
0xb0: {  	[dreg:$0x4] =	wrdreg $0xC0  }
0xb1: {  	_ =	task [dreg:s8], $0x5FFFF  }
0xb2: {  	[dreg:$0x1] =	wrdreg $0xFFFFFFFF  }
0xb3: {  	[dreg:$0x0] =	wrdreg $0x60  }
0xb4: {  	[dreg:$0x2] =	wrdreg s15  }
0xb5: {  	[dreg:$0x3] =	wrdreg s24  }
0xb6: {  	[dreg:$0x4] =	wrdreg s16  }
0xb7: {  	[dreg:$0x5] =	wrdreg $0x9  }
0xb8: {  	_ =	task.clear_ibuf [dreg:s8], $0x6FFFF;
	_ =	strace $0x90000046  }
0xb9: {  	s29 =	simm.s32 $0x9;
	_ =	strace $0x80000048  }
0xba: {  	_ =	swait.ge [sflag:s29], $0x1  }
0xbb: {  	[sflag:s29] =	ssyncadd.s32 $0xFFFFFFFF  }
0xbc: {  	_ =	strace $0x90000048  }
0xbd: {  	_ =	sfence  }
0xbe: {  	s30 =	sld [smem:$0x0];
	_ =	sdelay $0x2  }
0xbf: {  	s31 =	sshll.u32 s1, $0xD;
	s1 =	sshrl.u32 s1, $0x2  }
0xc0: {  	s3 =	sand.u32 $0x4000, s31;
	s1 =	sadd.s32 s1, s30  }
0xc1: {  	s0 =	sor.u32 s3, s0;
	s1 =	sshll.u32 s1, $0x11  }
0xc2: {  	s0 =	sor.u32 s1, s0  }
0xc3: {  	s0 =	sadd.s32 $0x8F2B, s0  }
0xc4: {  	[sflag:s0] =	ssyncadd.remote.s32 $0x1  }
0xc5: {  	_ =	sfence.sel $0xFFFF  }
0xc6: {  	[dreg:$0x0] =	wrdreg $0xFFFFFFFF;
	(pc) =	sbr.abs _section_cstart, $3  }
0xc7: {  	[dreg:$0x1] =	wrdreg $0xFFFFFFFF  }
0xc8: {  	_ =	task.clear_ibuf [dreg:s8], $0x2FFFF;
	_ =	strace $0x9FFFFFFF  }
0xc9: {  	(tm) =	ssettm $0x7FFFFFFF  }
tec
execute0_lowered:
.L_overlay_start_1:
0x0: {  	(tag) =	ssettag $0x1  }
0x1: {  	s1 =	rddreg [dreg:$0x0]  }
0x2: {  	s2 =	rddreg [dreg:$0x1];
	s3 =	srdreg.scid  }
0x3: {  	s0 =	stileid.u32;
	s4 =	rddreg [dreg:$0x2]  }
0x4: {  	s17 =	simm.s32 $0x900;
	s18 =	simm.s32 $0x1100;
	s19 =	simm.s32 $0x1900  }
0x5: {  	s20 =	simm.s32 $0x2100;
	s21 =	simm.s32 $0x2900;
	s22 =	simm.s32 $0x3100  }
0x6: {  	s24 =	simm.s32 $0x3900;
	s5 =	sand.u32 $0x1, s3;
	s3 =	simm.s32 $0x0  }
0x7: {  	s25 =	simm.s32 $0x4100;
	s26 =	simm.s32 $0x4900;
	[smem:$0x7FF] =	sst s3  }
0x8: {  	s9 =	simm.s32 $0x5900;
	_ =	strace $0x80000047;
	[dreg:$0x6] =	wrdreg s17  }
0x9: {  	s10 =	simm.s32 $0x6100;
	s11 =	simm.s32 $0x6900;
	[dreg:$0x7] =	wrdreg s18  }
0xa: {  	s12 =	simm.s32 $0x7100;
	s13 =	simm.s32 $0x7900;
	[dreg:$0x8] =	wrdreg s19  }
0xb: {  	s14 =	simm.s32 $0x8100;
	s15 =	simm.s32 $0x8900;
	[dreg:$0x9] =	wrdreg s20  }
0xc: {  	s28 =	simm.s32 $0xE900;
	s29 =	simm.s32 $0xF100;
	[dreg:$0xa] =	wrdreg s21  }
0xd: {  	s30 =	simm.s32 $0xF900;
	s6 =	sshll.u32 s0, $0x1;
	[dreg:$0xb] =	wrdreg s22  }
0xe: {  	s31 =	simm.s32 $0x1;
	s6 =	sor.u32 s5, s6;
	[dreg:$0xc] =	wrdreg s24  }
0xf: {  	s5 =	ssub.s32 $0x2, s5;
	s7 =	sshll.u32 s6, $0x5;
	[dreg:$0xd] =	wrdreg s25  }
0x10: {  	s6 =	sshll.u32 s6, $0xD;
	s23 =	sshrl.u32 s5, $0x1;
	[dreg:$0xe] =	wrdreg s26  }
0x11: {  	s17 =	simm.s32 $0x9900;
	s18 =	simm.s32 $0xA100;
	s19 =	simm.s32 $0xA900  }
0x12: {  	s20 =	simm.s32 $0xB100;
	s21 =	simm.s32 $0xB900;
	s22 =	simm.s32 $0xC100  }
0x13: {  	s24 =	simm.s32 $0xD100;
	s25 =	simm.s32 $0xD900;
	s26 =	simm.s32 $0xE100  }
0x14: {  	s2 =	sadd.s32 s2, s7;
	s4 =	sadd.s32 s4, s6;
	s5 =	ssub.s32 s5, s23  }
0x15: {  	v2 =	vlaneseq.u32;
	s6 =	simm.s32 $0x3;
	s7 =	simm.s32 $0x100;
	s23 =	simm.s32 $0xC900  }
0x16: {  	vm0 =	vmmov $0xffff;
	v1 =	vshrl.u32 v2, $0x3;
	[dreg:$0x4] =	wrdreg s2;
	s16 =	sadd.s32 $0x1000, s4;
	s5 =	smax.u32 s5, $0x1  }
0x17: {  	v0 =	vand.u32 $0x7, v2;
	v2 =	vor.u32 $0x8, v2;
	v1 =	vmul.u32 $0x8, v1;
	s2 =	simm.s32 $0x2;
	[dreg:$0x5] =	wrdreg s16;
	s16 =	simm.s32 $0x9100  }
.LBB2_1:
0x18: {  	s0 =	rddreg [dreg:$0x4]  }
0x19: {  	[tilespmem:s3], [sflag:$0x3] =	stream.linear.gather [hbm4b:s0+s3], $0x100, $0x38;
	[tilespmem:$0x10100] =	vst v63  }
0x1a: {  	_ =	swait.ge [sflag:s6], $0x100  }
0x1b: {  	[sflag:s6] =	ssyncset.done $0x0  }
0x1c: {  	[sflag:s6] =	ssyncadd.s32 $0xFFFFFF00  }
0x1d: {  	v3 =	vld [tilespmem:$0x0];
	_ =	sdelay $0x4  }
0x1e: {  	v4 =	vshll.u32 v3, $0x1  }
0x1f: {  	v3 =	vand.u32 $0x7, v3;
	v4 =	vand.u32 $0xFFFFFFF0, v4  }
0x20: {  	v3 =	vor.u32 v3, v4  }
0x21: {  	v4 =	vperm.xlane v3, v0;
	_ =	sdelay $0x1  }
0x22: {  	v3 =	vperm.xlane v3, v2;
	v4 =	vadd.s32 v1, v4;
	_ =	sdelay $0x1  }
0x23: {  	v3 =	vadd.s32 v1, v3;
	_ =	sdelay $0x2  }
0x24: {  	[tilespmem:s7], [sflag:$0x1] =	stream.indirect_vreg.gather [hbm4b:s1+s3], $0x80, v4, vm0, $0xb8;
	[tilespmem:$0x10100] =	vst v63  }
0x25: {  	s8 =	rddreg [dreg:$0x6]  }
0x26: {  	[tilespmem:s8], [sflag:$0x1] =	stream.indirect_vreg.gather [hbm4b:s1+s3], $0x80, v3, vm0, $0xb8;
	[tilespmem:$0x10100] =	vst v63  }
0x27: {  	v3 =	vld [tilespmem:$0x10];
	_ =	sdelay $0x4  }
0x28: {  	v49 =	vshll.u32 v3, $0x1  }
0x29: {  	v3 =	vand.u32 $0x7, v3;
	v4 =	vand.u32 $0xFFFFFFF0, v49  }
0x2a: {  	v3 =	vor.u32 v3, v4  }
0x2b: {  	v4 =	vperm.xlane v3, v0;
	_ =	sdelay $0x1  }
0x2c: {  	v3 =	vperm.xlane v3, v2;
	v4 =	vadd.s32 v1, v4;
	_ =	sdelay $0x1  }
0x2d: {  	v3 =	vadd.s32 v1, v3;
	_ =	sdelay $0x1  }
0x2e: {  	s0 =	rddreg [dreg:$0x7]  }
0x2f: {  	[tilespmem:s0], [sflag:$0x1] =	stream.indirect_vreg.gather [hbm4b:s1+s3], $0x80, v4, vm0, $0xb8;
	[tilespmem:$0x10100] =	vst v63  }
0x30: {  	s8 =	rddreg [dreg:$0x8]  }
0x31: {  	[tilespmem:s8], [sflag:$0x1] =	stream.indirect_vreg.gather [hbm4b:s1+s3], $0x80, v3, vm0, $0xb8;
	[tilespmem:$0x10100] =	vst v63  }
0x32: {  	v3 =	vld [tilespmem:$0x20];
	_ =	sdelay $0x4  }
0x33: {  	v50 =	vshll.u32 v3, $0x1  }
0x34: {  	v3 =	vand.u32 $0x7, v3;
	v4 =	vand.u32 $0xFFFFFFF0, v50  }
0x35: {  	v3 =	vor.u32 v3, v4  }
0x36: {  	v4 =	vperm.xlane v3, v0;
	_ =	sdelay $0x1  }
0x37: {  	v3 =	vperm.xlane v3, v2;
	v4 =	vadd.s32 v1, v4;
	_ =	sdelay $0x1  }
0x38: {  	v3 =	vadd.s32 v1, v3;
	_ =	sdelay $0x1  }
0x39: {  	s0 =	rddreg [dreg:$0x9]  }
0x3a: {  	[tilespmem:s0], [sflag:$0x1] =	stream.indirect_vreg.gather [hbm4b:s1+s3], $0x80, v4, vm0, $0xb8;
	[tilespmem:$0x10100] =	vst v63  }
0x3b: {  	s8 =	rddreg [dreg:$0xa]  }
0x3c: {  	[tilespmem:s8], [sflag:$0x1] =	stream.indirect_vreg.gather [hbm4b:s1+s3], $0x80, v3, vm0, $0xb8;
	[tilespmem:$0x10100] =	vst v63  }
0x3d: {  	v3 =	vld [tilespmem:$0x30];
	_ =	sdelay $0x4  }
0x3e: {  	v51 =	vshll.u32 v3, $0x1  }
0x3f: {  	v3 =	vand.u32 $0x7, v3;
	v4 =	vand.u32 $0xFFFFFFF0, v51  }
0x40: {  	v3 =	vor.u32 v3, v4  }
0x41: {  	v4 =	vperm.xlane v3, v0;
	_ =	sdelay $0x1  }
0x42: {  	v3 =	vperm.xlane v3, v2;
	v4 =	vadd.s32 v1, v4;
	_ =	sdelay $0x1  }
0x43: {  	v3 =	vadd.s32 v1, v3;
	_ =	sdelay $0x1  }
0x44: {  	s0 =	rddreg [dreg:$0xb]  }
0x45: {  	[tilespmem:s0], [sflag:$0x1] =	stream.indirect_vreg.gather [hbm4b:s1+s3], $0x80, v4, vm0, $0xb8;
	[tilespmem:$0x10100] =	vst v63  }
0x46: {  	s8 =	rddreg [dreg:$0xc]  }
0x47: {  	[tilespmem:s8], [sflag:$0x1] =	stream.indirect_vreg.gather [hbm4b:s1+s3], $0x80, v3, vm0, $0xb8;
	[tilespmem:$0x10100] =	vst v63  }
0x48: {  	v3 =	vld [tilespmem:$0x40];
	_ =	sdelay $0x4  }
0x49: {  	v52 =	vshll.u32 v3, $0x1  }
0x4a: {  	v3 =	vand.u32 $0x7, v3;
	v4 =	vand.u32 $0xFFFFFFF0, v52  }
0x4b: {  	v3 =	vor.u32 v3, v4  }
0x4c: {  	v4 =	vperm.xlane v3, v0;
	_ =	sdelay $0x1  }
0x4d: {  	v3 =	vperm.xlane v3, v2;
	v4 =	vadd.s32 v1, v4;
	_ =	sdelay $0x1  }
0x4e: {  	v3 =	vadd.s32 v1, v3;
	_ =	sdelay $0x1  }
0x4f: {  	s0 =	rddreg [dreg:$0xd]  }
0x50: {  	[tilespmem:s0], [sflag:$0x1] =	stream.indirect_vreg.gather [hbm4b:s1+s3], $0x80, v4, vm0, $0xb8;
	[tilespmem:$0x10100] =	vst v63  }
0x51: {  	s8 =	rddreg [dreg:$0xe]  }
0x52: {  	[tilespmem:s8], [sflag:$0x1] =	stream.indirect_vreg.gather [hbm4b:s1+s3], $0x80, v3, vm0, $0xb8;
	[tilespmem:$0x10100] =	vst v63  }
0x53: {  	v3 =	vld [tilespmem:$0x50];
	_ =	sdelay $0x4  }
0x54: {  	v53 =	vshll.u32 v3, $0x1  }
0x55: {  	v3 =	vand.u32 $0x7, v3;
	v4 =	vand.u32 $0xFFFFFFF0, v53  }
0x56: {  	v3 =	vor.u32 v3, v4  }
0x57: {  	v4 =	vperm.xlane v3, v0;
	_ =	sdelay $0x1  }
0x58: {  	v3 =	vperm.xlane v3, v2;
	v4 =	vadd.s32 v1, v4;
	_ =	sdelay $0x1  }
0x59: {  	v3 =	vadd.s32 v1, v3;
	_ =	sdelay $0x1  }
0x5a: {  	s8 =	simm.s32 $0x5100  }
0x5b: {  	[tilespmem:s8], [sflag:$0x1] =	stream.indirect_vreg.gather [hbm4b:s1+s3], $0x80, v4, vm0, $0xb8;
	[tilespmem:$0x10100] =	vst v63  }
0x5c: {  	_ = 	snop  }
0x5d: {  	[tilespmem:s9], [sflag:$0x1] =	stream.indirect_vreg.gather [hbm4b:s1+s3], $0x80, v3, vm0, $0xb8;
	[tilespmem:$0x10100] =	vst v63  }
0x5e: {  	v3 =	vld [tilespmem:$0x60];
	_ =	sdelay $0x4  }
0x5f: {  	v54 =	vshll.u32 v3, $0x1  }
0x60: {  	v3 =	vand.u32 $0x7, v3;
	v4 =	vand.u32 $0xFFFFFFF0, v54  }
0x61: {  	v3 =	vor.u32 v3, v4  }
0x62: {  	v4 =	vperm.xlane v3, v0;
	_ =	sdelay $0x1  }
0x63: {  	v3 =	vperm.xlane v3, v2;
	v4 =	vadd.s32 v1, v4;
	_ =	sdelay $0x1  }
0x64: {  	v3 =	vadd.s32 v1, v3;
	_ =	sdelay $0x2  }
0x65: {  	[tilespmem:s10], [sflag:$0x1] =	stream.indirect_vreg.gather [hbm4b:s1+s3], $0x80, v4, vm0, $0xb8;
	[tilespmem:$0x10100] =	vst v63  }
0x66: {  	_ = 	snop  }
0x67: {  	[tilespmem:s11], [sflag:$0x1] =	stream.indirect_vreg.gather [hbm4b:s1+s3], $0x80, v3, vm0, $0xb8;
	[tilespmem:$0x10100] =	vst v63  }
0x68: {  	v3 =	vld [tilespmem:$0x70];
	_ =	sdelay $0x4  }
0x69: {  	v55 =	vshll.u32 v3, $0x1  }
0x6a: {  	v3 =	vand.u32 $0x7, v3;
	v4 =	vand.u32 $0xFFFFFFF0, v55  }
0x6b: {  	v3 =	vor.u32 v3, v4  }
0x6c: {  	v4 =	vperm.xlane v3, v0;
	_ =	sdelay $0x1  }
0x6d: {  	v3 =	vperm.xlane v3, v2;
	v4 =	vadd.s32 v1, v4;
	_ =	sdelay $0x1  }
0x6e: {  	v3 =	vadd.s32 v1, v3;
	_ =	sdelay $0x2  }
0x6f: {  	[tilespmem:s12], [sflag:$0x1] =	stream.indirect_vreg.gather [hbm4b:s1+s3], $0x80, v4, vm0, $0xb8;
	[tilespmem:$0x10100] =	vst v63  }
0x70: {  	_ = 	snop  }
0x71: {  	[tilespmem:s13], [sflag:$0x1] =	stream.indirect_vreg.gather [hbm4b:s1+s3], $0x80, v3, vm0, $0xb8;
	[tilespmem:$0x10100] =	vst v63  }
0x72: {  	v3 =	vld [tilespmem:$0x80];
	_ =	sdelay $0x4  }
0x73: {  	v56 =	vshll.u32 v3, $0x1  }
0x74: {  	v3 =	vand.u32 $0x7, v3;
	v4 =	vand.u32 $0xFFFFFFF0, v56  }
0x75: {  	v3 =	vor.u32 v3, v4  }
0x76: {  	v4 =	vperm.xlane v3, v0;
	_ =	sdelay $0x1  }
0x77: {  	v3 =	vperm.xlane v3, v2;
	v4 =	vadd.s32 v1, v4;
	_ =	sdelay $0x1  }
0x78: {  	v3 =	vadd.s32 v1, v3;
	_ =	sdelay $0x2  }
0x79: {  	[tilespmem:s14], [sflag:$0x1] =	stream.indirect_vreg.gather [hbm4b:s1+s3], $0x80, v4, vm0, $0xb8;
	[tilespmem:$0x10100] =	vst v63  }
0x7a: {  	_ = 	snop  }
0x7b: {  	[tilespmem:s15], [sflag:$0x1] =	stream.indirect_vreg.gather [hbm4b:s1+s3], $0x80, v3, vm0, $0xb8;
	[tilespmem:$0x10100] =	vst v63  }
0x7c: {  	v3 =	vld [tilespmem:$0x90];
	_ =	sdelay $0x4  }
0x7d: {  	v57 =	vshll.u32 v3, $0x1  }
0x7e: {  	v3 =	vand.u32 $0x7, v3;
	v4 =	vand.u32 $0xFFFFFFF0, v57  }
0x7f: {  	v3 =	vor.u32 v3, v4  }
0x80: {  	v4 =	vperm.xlane v3, v0;
	_ =	sdelay $0x1  }
0x81: {  	v3 =	vperm.xlane v3, v2;
	v4 =	vadd.s32 v1, v4;
	_ =	sdelay $0x1  }
0x82: {  	v3 =	vadd.s32 v1, v3;
	_ =	sdelay $0x2  }
0x83: {  	[tilespmem:s16], [sflag:$0x1] =	stream.indirect_vreg.gather [hbm4b:s1+s3], $0x80, v4, vm0, $0xb8;
	[tilespmem:$0x10100] =	vst v63  }
0x84: {  	_ = 	snop  }
0x85: {  	[tilespmem:s17], [sflag:$0x1] =	stream.indirect_vreg.gather [hbm4b:s1+s3], $0x80, v3, vm0, $0xb8;
	[tilespmem:$0x10100] =	vst v63  }
0x86: {  	v3 =	vld [tilespmem:$0xA0];
	_ =	sdelay $0x4  }
0x87: {  	v58 =	vshll.u32 v3, $0x1  }
0x88: {  	v3 =	vand.u32 $0x7, v3;
	v4 =	vand.u32 $0xFFFFFFF0, v58  }
0x89: {  	v3 =	vor.u32 v3, v4  }
0x8a: {  	v4 =	vperm.xlane v3, v0;
	_ =	sdelay $0x1  }
0x8b: {  	v3 =	vperm.xlane v3, v2;
	v4 =	vadd.s32 v1, v4;
	_ =	sdelay $0x1  }
0x8c: {  	v3 =	vadd.s32 v1, v3;
	_ =	sdelay $0x2  }
0x8d: {  	[tilespmem:s18], [sflag:$0x1] =	stream.indirect_vreg.gather [hbm4b:s1+s3], $0x80, v4, vm0, $0xb8;
	[tilespmem:$0x10100] =	vst v63  }
0x8e: {  	_ = 	snop  }
0x8f: {  	[tilespmem:s19], [sflag:$0x1] =	stream.indirect_vreg.gather [hbm4b:s1+s3], $0x80, v3, vm0, $0xb8;
	[tilespmem:$0x10100] =	vst v63  }
0x90: {  	v3 =	vld [tilespmem:$0xB0];
	_ =	sdelay $0x4  }
0x91: {  	v59 =	vshll.u32 v3, $0x1  }
0x92: {  	v3 =	vand.u32 $0x7, v3;
	v4 =	vand.u32 $0xFFFFFFF0, v59  }
0x93: {  	v3 =	vor.u32 v3, v4  }
0x94: {  	v4 =	vperm.xlane v3, v0;
	_ =	sdelay $0x1  }
0x95: {  	v3 =	vperm.xlane v3, v2;
	v4 =	vadd.s32 v1, v4;
	_ =	sdelay $0x1  }
0x96: {  	v3 =	vadd.s32 v1, v3;
	_ =	sdelay $0x2  }
0x97: {  	[tilespmem:s20], [sflag:$0x1] =	stream.indirect_vreg.gather [hbm4b:s1+s3], $0x80, v4, vm0, $0xb8;
	[tilespmem:$0x10100] =	vst v63  }
0x98: {  	_ = 	snop  }
0x99: {  	[tilespmem:s21], [sflag:$0x1] =	stream.indirect_vreg.gather [hbm4b:s1+s3], $0x80, v3, vm0, $0xb8;
	[tilespmem:$0x10100] =	vst v63  }
0x9a: {  	v3 =	vld [tilespmem:$0xC0];
	_ =	sdelay $0x4  }
0x9b: {  	v60 =	vshll.u32 v3, $0x1  }
0x9c: {  	v3 =	vand.u32 $0x7, v3;
	v4 =	vand.u32 $0xFFFFFFF0, v60  }
0x9d: {  	v3 =	vor.u32 v3, v4  }
0x9e: {  	v4 =	vperm.xlane v3, v0;
	_ =	sdelay $0x1  }
0x9f: {  	v3 =	vperm.xlane v3, v2;
	v4 =	vadd.s32 v1, v4;
	_ =	sdelay $0x1  }
0xa0: {  	v3 =	vadd.s32 v1, v3;
	_ =	sdelay $0x2  }
0xa1: {  	[tilespmem:s22], [sflag:$0x1] =	stream.indirect_vreg.gather [hbm4b:s1+s3], $0x80, v4, vm0, $0xb8;
	[tilespmem:$0x10100] =	vst v63  }
0xa2: {  	_ = 	snop  }
0xa3: {  	[tilespmem:s23], [sflag:$0x1] =	stream.indirect_vreg.gather [hbm4b:s1+s3], $0x80, v3, vm0, $0xb8;
	[tilespmem:$0x10100] =	vst v63  }
0xa4: {  	v3 =	vld [tilespmem:$0xD0];
	_ =	sdelay $0x4  }
0xa5: {  	v61 =	vshll.u32 v3, $0x1  }
0xa6: {  	v3 =	vand.u32 $0x7, v3;
	v4 =	vand.u32 $0xFFFFFFF0, v61  }
0xa7: {  	v3 =	vor.u32 v3, v4  }
0xa8: {  	v4 =	vperm.xlane v3, v0;
	_ =	sdelay $0x1  }
0xa9: {  	v3 =	vperm.xlane v3, v2;
	v4 =	vadd.s32 v1, v4;
	_ =	sdelay $0x1  }
0xaa: {  	v3 =	vadd.s32 v1, v3;
	_ =	sdelay $0x2  }
0xab: {  	[tilespmem:s24], [sflag:$0x1] =	stream.indirect_vreg.gather [hbm4b:s1+s3], $0x80, v4, vm0, $0xb8;
	[tilespmem:$0x10100] =	vst v63  }
0xac: {  	_ = 	snop  }
0xad: {  	[tilespmem:s25], [sflag:$0x1] =	stream.indirect_vreg.gather [hbm4b:s1+s3], $0x80, v3, vm0, $0xb8;
	[tilespmem:$0x10100] =	vst v63  }
0xae: {  	v3 =	vld [tilespmem:$0xE0];
	_ =	sdelay $0x4  }
0xaf: {  	v62 =	vshll.u32 v3, $0x1  }
0xb0: {  	v3 =	vand.u32 $0x7, v3;
	v4 =	vand.u32 $0xFFFFFFF0, v62  }
0xb1: {  	v3 =	vor.u32 v3, v4  }
0xb2: {  	v4 =	vperm.xlane v3, v0;
	_ =	sdelay $0x1  }
0xb3: {  	v3 =	vperm.xlane v3, v2;
	v4 =	vadd.s32 v1, v4;
	_ =	sdelay $0x1  }
0xb4: {  	v3 =	vadd.s32 v1, v3;
	_ =	sdelay $0x2  }
0xb5: {  	[tilespmem:s26], [sflag:$0x1] =	stream.indirect_vreg.gather [hbm4b:s1+s3], $0x80, v4, vm0, $0xb8;
	[tilespmem:$0x10100] =	vst v63  }
0xb6: {  	_ = 	snop  }
0xb7: {  	[tilespmem:s28], [sflag:$0x1] =	stream.indirect_vreg.gather [hbm4b:s1+s3], $0x80, v3, vm0, $0xb8;
	[tilespmem:$0x10100] =	vst v63  }
0xb8: {  	v3 =	vld [tilespmem:$0xF0];
	_ =	sdelay $0x4  }
0xb9: {  	v63 =	vshll.u32 v3, $0x1  }
0xba: {  	v3 =	vand.u32 $0x7, v3;
	v4 =	vand.u32 $0xFFFFFFF0, v63  }
0xbb: {  	v3 =	vor.u32 v3, v4  }
0xbc: {  	v4 =	vperm.xlane v3, v0;
	_ =	sdelay $0x1  }
0xbd: {  	v3 =	vperm.xlane v3, v2;
	v4 =	vadd.s32 v1, v4;
	_ =	sdelay $0x1  }
0xbe: {  	v3 =	vadd.s32 v1, v3;
	_ =	sdelay $0x2  }
0xbf: {  	[tilespmem:s29], [sflag:$0x1] =	stream.indirect_vreg.gather [hbm4b:s1+s3], $0x80, v4, vm0, $0xb8;
	[tilespmem:$0x10100] =	vst v63  }
0xc0: {  	_ = 	snop  }
0xc1: {  	[tilespmem:s30], [sflag:$0x1] =	stream.indirect_vreg.gather [hbm4b:s1+s3], $0x80, v3, vm0, $0xb8;
	[tilespmem:$0x10100] =	vst v63  }
0xc2: {  	_ =	swait.ge [sflag:s31], $0x8000  }
0xc3: {  	[sflag:s31] =	ssyncset.done $0x0  }
0xc4: {  	[sflag:s31] =	ssyncadd.s32 $0xFFFF8000  }
0xc5: {  	[hbm4b:s4+s3] =	stream.linear.scatter [tilespmem:s7], [sflag:$0x2], $0x8000, $0x38;
	[tilespmem:$0x10100] =	vst v63  }
0xc6: {  	_ =	swait.ge [sflag:s31], $0x8000  }
0xc7: {  	[sflag:s31] =	ssyncset.done $0x0  }
0xc8: {  	s8 =	rddreg [dreg:$0x5];
	[sflag:s31] =	ssyncadd.s32 $0xFFFF8000  }
0xc9: {  	[hbm4b:s8+s3] =	stream.linear.scatter [tilespmem:s14], [sflag:$0x2], $0x8000, $0x38;
	[tilespmem:$0x10100] =	vst v63  }
0xca: {  	p0 =	sne.s32 s5, $0x1;
	_ =	swait.ge [sflag:s2], $0x8000  }
.Ltmp0:
0xcb: {  	[sflag:s2] =	ssyncset.done $0x0;
	(pc) =	sbr.rel @p0 .LBB2_1-.Ltmp0, $4  }
0xcc: {  	[sflag:s2] =	ssyncadd.s32 $0xFFFF8000  }
0xcd: {  	_ =	swait.ge [sflag:s2], $0x8000  }
0xce: {  	[sflag:s2] =	ssyncset.done $0x0  }
0xcf: {  	s5 =	sadd.s32 $0xFFFFFFFF, s5;
	[sflag:s2] =	ssyncadd.s32 $0xFFFF8000  }
0xd0: {  	_ =	sfence.sel $0x180000  }
0xd1: {  	[bflag:$0x0] =	sbarrier.arrive $0xFFFF  }
0xd2: {  	_ =	strace $0x90000047  }
0xd3: {  	s0 =	stileid.u32;
	[bflag:$0x2] =	sbarrier.arrive $0xFFFF  }
0xd4: {  	p0 =	sne.s32 s0, $0x0;
	s0 =	rddreg [dreg:$0x3]  }
0xd5: {  	s0 =	sadd.s32 @!p0 $0x100000, s0  }
0xd6: {  	[sflag:s0] =	ssyncadd.tile.s32 @!p0 $0x1;
	_ =	shalt  }
.Lfunc_end2:
_tile_overlayer_lowered:
.L_overlay_start_2:
0xd7: {  	(tag) =	ssettag $0x2  }
0xd8: {  	s0 =	rddreg [dreg:$0x0];
	s2 =	stileid.u32  }
0xd9: {  	s1 =	rddreg [dreg:$0x1];
	p0 =	sne.s32 s2, $0x0  }
0xda: {  	s3 =	rddreg [dreg:$0x2];
	[bflag:$0x3] =	sbarrier.arrive $0xFFFF;
	s2 =	simm.s32 @!p0 $0x1C03  }
0xdb: {  	[timem:s3], [sflag:s2] =	dma.local @!p0 [hbm:s0], s1  }
0xdc: {  	s0 =	simm.s32 @!p0 $0x3  }
0xdd: {  	_ =	swait.ge @!p0 [sflag:s0], s1  }
0xde: {  	s1 =	ssub.s32 @!p0 $0x0, s1;
	[sflag:s0] =	ssyncset.done @!p0 $0x0  }
0xdf: {  	[sflag:s0] =	ssyncadd.s32 @!p0 s1  }
0xe0: {  	[bflag:$0x3] =	sbarrier.arrive $0xFFFF  }
0xe1: {  	_ =	shalt  }

</sc_bundles>
